<compile_context>
chip_gen: v7x
topology: tpu7x:2x2x1
jax: 0.10.2.dev20260603
libtpu: 0.0.44.dev20260713+nightly
codegen_flags: <defaults>
</compile_context>

<pallas_src>
import functools

import jax
import jax.numpy as jnp
from jax import lax
from jax.experimental import pallas as pl
from jax.experimental.pallas import tpu as pltpu
from jax.experimental.pallas import tpu_sc as plsc

N = 10000
E = 320000
D = 128
H = D // 2

NC = 2
NS = 16
EPT = E // NS
CHUNK = 125
NCHUNK = EPT // CHUNK
NBUF = 4
NGROUP = NCHUNK // NBUF
N_PAD = 10240
RPT = N_PAD // NS

assert NCHUNK % NBUF == 0


def _sc_agg_body(xs_hbm, srcs_hbm, dsts_hbm, out_hbm,
                 src_idx, dst_idx, rows, agg_sh, gsem):
    c = lax.axis_index("c")
    s = lax.axis_index("s")

    pltpu.sync_copy(srcs_hbm.at[c, s], src_idx)
    pltpu.sync_copy(dsts_hbm.at[s], dst_idx)

    pltpu.sync_copy(xs_hbm.at[pl.ds(c * N_PAD + s * RPT, RPT)],
                    agg_sh.at[pl.ds(s * RPT, RPT)])
    plsc.subcore_barrier()

    for b in range(NBUF):
        pltpu.async_copy(xs_hbm.at[src_idx.at[b]], rows.at[b], gsem.at[b])

    @pl.loop(0, NGROUP)
    def _outer(k):
        g = k * NBUF
        for b in range(NBUF):
            i = g + b
            pltpu.make_async_copy(
                xs_hbm.at[src_idx.at[i]], rows.at[b], gsem.at[b]).wait()
            pltpu.sync_copy(rows.at[b], agg_sh.at[dst_idx.at[i]], add=True)
            @pl.when(i + NBUF < NCHUNK)
            def _():
                pltpu.async_copy(
                    xs_hbm.at[src_idx.at[i + NBUF]], rows.at[b], gsem.at[b])

    pltpu.sync_copy(rows.at[0], agg_sh.at[dst_idx.at[NCHUNK]], add=True)
    plsc.subcore_barrier()
    plsc.subcore_barrier()
    pltpu.sync_copy(agg_sh.at[pl.ds(s * RPT, RPT)],
                    out_hbm.at[c, pl.ds(s * RPT, RPT)])


def _sc_agg(xs, srcs, dsts):
    mesh = plsc.VectorSubcoreMesh(core_axis_name="c", subcore_axis_name="s")
    fn = pl.kernel(
        _sc_agg_body,
        out_type=jax.ShapeDtypeStruct((NC, N_PAD, H), jnp.float32),
        mesh=mesh,
        scratch_types=[
            pltpu.VMEM((NCHUNK, CHUNK), jnp.int32),
            pltpu.VMEM((NCHUNK + 1, CHUNK), jnp.int32),
            pltpu.VMEM((NBUF, CHUNK, H), jnp.float32),
            pltpu.VMEM_SHARED((N_PAD, H), jnp.float32),
            pltpu.SemaphoreType.DMA((NBUF,)),
        ],
        compiler_params=pltpu.CompilerParams(use_tc_tiling_on_sc=False),
    )
    return fn(xs, srcs, dsts)


def _tc_body(agg_ref, wt_ref, b_ref, gamma_ref, beta_ref, out_ref):
    a = jnp.concatenate([agg_ref[0, :N], agg_ref[1, :N]], axis=1)
    h = jnp.dot(a, wt_ref[...], preferred_element_type=jnp.float32)
    h = h + b_ref[...]
    mean = jnp.mean(h, axis=0, keepdims=True)
    var = jnp.mean((h - mean) ** 2, axis=0, keepdims=True)
    out_ref[...] = (gamma_ref[...] * (h - mean) * lax.rsqrt(var + 1e-5)
                    + beta_ref[...])


@jax.jit
def kernel(x, edge_index, W, b, gamma, beta):
    src = edge_index[0]
    dst = edge_index[1]
    xp = jnp.concatenate([x, jnp.zeros((N_PAD - N, D), jnp.float32)], axis=0)
    xs = jnp.concatenate([xp[:, :H], xp[:, H:]], axis=0)
    srcs = jnp.stack([src, src + N_PAD]).reshape(NC, NS, NCHUNK, CHUNK)
    dsts = jnp.concatenate(
        [dst.reshape(NS, NCHUNK, CHUNK),
         jnp.full((NS, 1, CHUNK), N_PAD - 1, jnp.int32)], axis=1)
    agg = _sc_agg(xs, srcs, dsts)

    wt = W.T
    out = pl.pallas_call(
        _tc_body,
        out_shape=jax.ShapeDtypeStruct((N, D), jnp.float32),
    )(agg, wt, b.reshape(1, D), gamma.reshape(1, D), beta.reshape(1, D))
    return out

# --- scband reference (transcript-rebuilt; emitter-appended) ---
"""Pipeline reference for scband-gin-1-bn-77558519431974 (READ-ONLY COPY).

The authoritative reference and input builder live on the scoring server;
editing this copy changes nothing except your own understanding.
"""

import jax, jax.numpy as jnp
import numpy as np

N = 10000
E = 320000
D = 128

def setup_inputs(seed: int = 0) -> dict:
    key = jax.random.key(seed)
    k1, k2, k3, k4 = jax.random.split(key, 4)
    x = jax.random.normal(k1, (N, D), dtype=jnp.float32)
    edge_index = jax.random.randint(k2, (2, E), 0, N, dtype=jnp.int32)
    # GINConv's nn = Linear(input_dim, out_dim)
    W = jax.random.normal(k3, (D, D), dtype=jnp.float32) * (1.0 / np.sqrt(D))
    b = jax.random.normal(k4, (D,), dtype=jnp.float32) * 0.01
    # BatchNorm1d affine params
    gamma = jnp.ones((D,), dtype=jnp.float32)
    beta = jnp.zeros((D,), dtype=jnp.float32)
    return {"x": x, "edge_index": edge_index, "W": W, "b": b, "gamma": gamma, "beta": beta}

def reference(x, edge_index, W, b, gamma, beta):
    # GINConv: out = nn((1 + eps) * x + sum_{j in N(i)} x_j), eps = 0 (train_eps=False)
    src = edge_index[0]
    dst = edge_index[1]
    msgs = jnp.take(x, src, axis=0)                      # gather
    agg = jax.ops.segment_sum(msgs, dst, num_segments=N)  # scatter-add
    h = x + agg
    h = h @ W.T + b
    # BatchNorm1d in training mode (batch statistics, biased variance, eps=1e-5)
    mean = jnp.mean(h, axis=0)
    var = jnp.mean((h - mean) ** 2, axis=0)
    out = gamma * (h - mean) / jnp.sqrt(var + 1e-5) + beta
    return out

if __name__ == "__main__":
    import jax
    _d = setup_inputs()
    print(jax.jit(kernel)(*tuple(_d.values())))

</pallas_src>

<mosaic_0001>
#map = affine_map<(d0, d1) -> (0, 0)>
#map1 = affine_map<(d0, d1) -> (0, 0, 0, 0)>
#map2 = affine_map<(d0, d1) -> (0, 0, 0)>
module attributes {stable_mosaic.version = 14 : i64} {
  func.func @_sc_agg_body(%arg0: i32, %arg1: i32, %arg2: memref<20480x64xf32, #tpu.memory_space<hbm>>, %arg3: memref<2x16x160x125xi32, #tpu.memory_space<hbm>>, %arg4: memref<16x161x125xi32, #tpu.memory_space<hbm>>, %arg5: memref<2x10240x64xf32, #tpu.memory_space<hbm>>, %arg6: memref<160x125xi32, #tpu.memory_space<vmem>>, %arg7: memref<161x125xi32, #tpu.memory_space<vmem>>, %arg8: memref<4x125x64xf32, #tpu.memory_space<vmem>>, %arg9: memref<10240x64xf32, #tpu.memory_space<vmem_shared>>, %arg10: memref<4x!tpu.dma_semaphore, #tpu.memory_space<semaphore_mem>>) attributes {dimension_semantics = [#tpu.dimension_semantics<core_parallel>, #tpu.dimension_semantics<subcore_parallel>], iteration_bounds = array<i64: 2, 16>, scalar_prefetch = 0 : i64, scratch_operands = 5 : i64, tpu.core_type = #tpu.core_type<sc_vector_subcore>, window_params = [{transform_indices = #map}, {transform_indices = #map1}, {transform_indices = #map2}, {transform_indices = #map2}]} {
    "tpu.region"() ({
      %run_scoped3A_75 = tpu.sem_alloc : memref<!tpu.dma_semaphore, #tpu.memory_space<semaphore_mem>>
      %dma_start3A_76 = arith.constant 0 : i32
      %dma_start3A_77 = arith.constant 0 : i32
      %dma_start3A_78 = tpu.memref_slice %arg3[%arg0, %arg1, %dma_start3A_76, %dma_start3A_77] : memref<2x16x160x125xi32, #tpu.memory_space<hbm>> -> memref<1x1x160x125xi32, #tpu.memory_space<hbm>>
      %dma_start3A_79 = tpu.memref_squeeze %dma_start3A_78 : memref<1x1x160x125xi32, #tpu.memory_space<hbm>> -> memref<160x125xi32, #tpu.memory_space<hbm>>
      %dma_start3A_80 = arith.constant 0 : i32
      %dma_start3A_81 = arith.constant 0 : i32
      %dma_start3A_82 = tpu.memref_slice %arg3[%arg0, %arg1, %dma_start3A_80, %dma_start3A_81] : memref<2x16x160x125xi32, #tpu.memory_space<hbm>> -> memref<1x1x160x125xi32, #tpu.memory_space<hbm>>
      %dma_start3A_83 = tpu.memref_squeeze %dma_start3A_82 : memref<1x1x160x125xi32, #tpu.memory_space<hbm>> -> memref<160x125xi32, #tpu.memory_space<hbm>>
      tpu.enqueue_dma source(%dma_start3A_83 : memref<160x125xi32, #tpu.memory_space<hbm>>) target(%arg6 : memref<160x125xi32, #tpu.memory_space<vmem>>) target_semaphore(%run_scoped3A_75 : memref<!tpu.dma_semaphore, #tpu.memory_space<semaphore_mem>>)
      %dma_wait3A = arith.constant 0 : i32
      %dma_wait3A_84 = arith.constant 0 : i32
      %dma_wait3A_85 = tpu.memref_slice %arg3[%arg0, %arg1, %dma_wait3A, %dma_wait3A_84] : memref<2x16x160x125xi32, #tpu.memory_space<hbm>> -> memref<1x1x160x125xi32, #tpu.memory_space<hbm>>
      %dma_wait3A_86 = tpu.memref_squeeze %dma_wait3A_85 : memref<1x1x160x125xi32, #tpu.memory_space<hbm>> -> memref<160x125xi32, #tpu.memory_space<hbm>>
      %dma_wait3A_87 = arith.constant 0 : i32
      %dma_wait3A_88 = arith.constant 0 : i32
      %dma_wait3A_89 = tpu.memref_slice %arg3[%arg0, %arg1, %dma_wait3A_87, %dma_wait3A_88] : memref<2x16x160x125xi32, #tpu.memory_space<hbm>> -> memref<1x1x160x125xi32, #tpu.memory_space<hbm>>
      %dma_wait3A_90 = tpu.memref_squeeze %dma_wait3A_89 : memref<1x1x160x125xi32, #tpu.memory_space<hbm>> -> memref<160x125xi32, #tpu.memory_space<hbm>>
      tpu.wait_dma2 semaphore(%run_scoped3A_75 : memref<!tpu.dma_semaphore, #tpu.memory_space<semaphore_mem>>) src(%dma_wait3A_90 : memref<160x125xi32, #tpu.memory_space<hbm>>) dst(%arg6 : memref<160x125xi32, #tpu.memory_space<vmem>>)
      tpu.yield
    }) : () -> ()
    "tpu.region"() ({
      %run_scoped3A_75 = tpu.sem_alloc : memref<!tpu.dma_semaphore, #tpu.memory_space<semaphore_mem>>
      %dma_start3A_76 = arith.constant 0 : i32
      %dma_start3A_77 = arith.constant 0 : i32
      %dma_start3A_78 = tpu.memref_slice %arg4[%arg1, %dma_start3A_76, %dma_start3A_77] : memref<16x161x125xi32, #tpu.memory_space<hbm>> -> memref<1x161x125xi32, #tpu.memory_space<hbm>>
      %dma_start3A_79 = tpu.memref_squeeze %dma_start3A_78 : memref<1x161x125xi32, #tpu.memory_space<hbm>> -> memref<161x125xi32, #tpu.memory_space<hbm>>
      %dma_start3A_80 = arith.constant 0 : i32
      %dma_start3A_81 = arith.constant 0 : i32
      %dma_start3A_82 = tpu.memref_slice %arg4[%arg1, %dma_start3A_80, %dma_start3A_81] : memref<16x161x125xi32, #tpu.memory_space<hbm>> -> memref<1x161x125xi32, #tpu.memory_space<hbm>>
      %dma_start3A_83 = tpu.memref_squeeze %dma_start3A_82 : memref<1x161x125xi32, #tpu.memory_space<hbm>> -> memref<161x125xi32, #tpu.memory_space<hbm>>
      tpu.enqueue_dma source(%dma_start3A_83 : memref<161x125xi32, #tpu.memory_space<hbm>>) target(%arg7 : memref<161x125xi32, #tpu.memory_space<vmem>>) target_semaphore(%run_scoped3A_75 : memref<!tpu.dma_semaphore, #tpu.memory_space<semaphore_mem>>)
      %dma_wait3A = arith.constant 0 : i32
      %dma_wait3A_84 = arith.constant 0 : i32
      %dma_wait3A_85 = tpu.memref_slice %arg4[%arg1, %dma_wait3A, %dma_wait3A_84] : memref<16x161x125xi32, #tpu.memory_space<hbm>> -> memref<1x161x125xi32, #tpu.memory_space<hbm>>
      %dma_wait3A_86 = tpu.memref_squeeze %dma_wait3A_85 : memref<1x161x125xi32, #tpu.memory_space<hbm>> -> memref<161x125xi32, #tpu.memory_space<hbm>>
      %dma_wait3A_87 = arith.constant 0 : i32
      %dma_wait3A_88 = arith.constant 0 : i32
      %dma_wait3A_89 = tpu.memref_slice %arg4[%arg1, %dma_wait3A_87, %dma_wait3A_88] : memref<16x161x125xi32, #tpu.memory_space<hbm>> -> memref<1x161x125xi32, #tpu.memory_space<hbm>>
      %dma_wait3A_90 = tpu.memref_squeeze %dma_wait3A_89 : memref<1x161x125xi32, #tpu.memory_space<hbm>> -> memref<161x125xi32, #tpu.memory_space<hbm>>
      tpu.wait_dma2 semaphore(%run_scoped3A_75 : memref<!tpu.dma_semaphore, #tpu.memory_space<semaphore_mem>>) src(%dma_wait3A_90 : memref<161x125xi32, #tpu.memory_space<hbm>>) dst(%arg7 : memref<161x125xi32, #tpu.memory_space<vmem>>)
      tpu.yield
    }) : () -> ()
    %mul3A = arith.constant 10240 : i32
    %mul3A_0 = arith.muli %arg0, %mul3A : i32
    %mul3A_1 = arith.constant 640 : i32
    %mul3A_2 = arith.muli %arg1, %mul3A_1 : i32
    %add3A = arith.addi %mul3A_0, %mul3A_2 : i32
    %mul3A_3 = arith.constant 640 : i32
    %mul3A_4 = arith.muli %arg1, %mul3A_3 : i32
    "tpu.region"() ({
      %run_scoped3A_75 = tpu.sem_alloc : memref<!tpu.dma_semaphore, #tpu.memory_space<semaphore_mem>>
      %dma_start3A_76 = arith.constant 0 : i32
      %dma_start3A_77 = tpu.memref_slice %arg9[%mul3A_4, %dma_start3A_76] : memref<10240x64xf32, #tpu.memory_space<vmem_shared>> -> memref<640x64xf32, #tpu.memory_space<vmem_shared>>
      %dma_start3A_78 = arith.constant 0 : i32
      %dma_start3A_79 = tpu.memref_slice %arg2[%add3A, %dma_start3A_78] : memref<20480x64xf32, #tpu.memory_space<hbm>> -> memref<640x64xf32, #tpu.memory_space<hbm>>
      tpu.enqueue_dma source(%dma_start3A_79 : memref<640x64xf32, #tpu.memory_space<hbm>>) target(%dma_start3A_77 : memref<640x64xf32, #tpu.memory_space<vmem_shared>>) target_semaphore(%run_scoped3A_75 : memref<!tpu.dma_semaphore, #tpu.memory_space<semaphore_mem>>)
      %dma_wait3A = arith.constant 0 : i32
      %dma_wait3A_80 = tpu.memref_slice %arg9[%mul3A_4, %dma_wait3A] : memref<10240x64xf32, #tpu.memory_space<vmem_shared>> -> memref<640x64xf32, #tpu.memory_space<vmem_shared>>
      %dma_wait3A_81 = arith.constant 0 : i32
      %dma_wait3A_82 = tpu.memref_slice %arg2[%add3A, %dma_wait3A_81] : memref<20480x64xf32, #tpu.memory_space<hbm>> -> memref<640x64xf32, #tpu.memory_space<hbm>>
      tpu.wait_dma2 semaphore(%run_scoped3A_75 : memref<!tpu.dma_semaphore, #tpu.memory_space<semaphore_mem>>) src(%dma_wait3A_82 : memref<640x64xf32, #tpu.memory_space<hbm>>) dst(%dma_wait3A_80 : memref<640x64xf32, #tpu.memory_space<vmem_shared>>)
      tpu.yield
    }) : () -> ()
    %barrier3A = arith.constant 0 : index
    tpu.barrier barrier_id(%barrier3A)
    %dma_start3A = arith.constant 0 : i32
    %dma_start3A_5 = arith.constant 0 : i32
    %dma_start3A_6 = arith.constant 0 : i32
    %dma_start3A_7 = arith.constant 0 : i32
    %dma_start3A_8 = arith.constant 0 : i32
    %dma_start3A_9 = tpu.memref_slice %arg8[%dma_start3A_5, %dma_start3A_7, %dma_start3A_8] : memref<4x125x64xf32, #tpu.memory_space<vmem>> -> memref<1x125x64xf32, #tpu.memory_space<vmem>>
    %dma_start3A_10 = tpu.memref_squeeze %dma_start3A_9 : memref<1x125x64xf32, #tpu.memory_space<vmem>> -> memref<125x64xf32, #tpu.memory_space<vmem>>
    %dma_start3A_11 = arith.constant 0 : i32
    %dma_start3A_12 = tpu.memref_slice %arg6[%dma_start3A, %dma_start3A_11] : memref<160x125xi32, #tpu.memory_space<vmem>> -> memref<1x125xi32, #tpu.memory_space<vmem>>
    %dma_start3A_13 = tpu.memref_squeeze %dma_start3A_12 : memref<1x125xi32, #tpu.memory_space<vmem>> -> memref<125xi32, #tpu.memory_space<vmem>>
    %dma_start3A_14 = arith.constant 0 : i32
    %dma_start3A_15 = arith.constant 0 : i32
    %dma_start3A_16 = tpu.memref_slice %arg2[%dma_start3A_14, %dma_start3A_15] : memref<20480x64xf32, #tpu.memory_space<hbm>> -> memref<20480x64xf32, #tpu.memory_space<hbm>>
    %dma_start3A_17 = tpu.memref_slice %arg10[%dma_start3A_6] : memref<4x!tpu.dma_semaphore, #tpu.memory_space<semaphore_mem>> -> memref<1x!tpu.dma_semaphore, #tpu.memory_space<semaphore_mem>>
    %dma_start3A_18 = tpu.memref_squeeze %dma_start3A_17 : memref<1x!tpu.dma_semaphore, #tpu.memory_space<semaphore_mem>> -> memref<!tpu.dma_semaphore, #tpu.memory_space<semaphore_mem>>
    tpu.enqueue_indirect_dma source(%dma_start3A_16 : memref<20480x64xf32, #tpu.memory_space<hbm>>) target(%dma_start3A_10 : memref<125x64xf32, #tpu.memory_space<vmem>>) offsets(%dma_start3A_13 : memref<125xi32, #tpu.memory_space<vmem>>) semaphore(%dma_start3A_18 : memref<!tpu.dma_semaphore, #tpu.memory_space<semaphore_mem>>)
    %dma_start3A_19 = arith.constant 1 : i32
    %dma_start3A_20 = arith.constant 1 : i32
    %dma_start3A_21 = arith.constant 1 : i32
    %dma_start3A_22 = arith.constant 0 : i32
    %dma_start3A_23 = arith.constant 0 : i32
    %dma_start3A_24 = tpu.memref_slice %arg8[%dma_start3A_20, %dma_start3A_22, %dma_start3A_23] : memref<4x125x64xf32, #tpu.memory_space<vmem>> -> memref<1x125x64xf32, #tpu.memory_space<vmem>>
    %dma_start3A_25 = tpu.memref_squeeze %dma_start3A_24 : memref<1x125x64xf32, #tpu.memory_space<vmem>> -> memref<125x64xf32, #tpu.memory_space<vmem>>
    %dma_start3A_26 = arith.constant 0 : i32
    %dma_start3A_27 = tpu.memref_slice %arg6[%dma_start3A_19, %dma_start3A_26] : memref<160x125xi32, #tpu.memory_space<vmem>> -> memref<1x125xi32, #tpu.memory_space<vmem>>
    %dma_start3A_28 = tpu.memref_squeeze %dma_start3A_27 : memref<1x125xi32, #tpu.memory_space<vmem>> -> memref<125xi32, #tpu.memory_space<vmem>>
    %dma_start3A_29 = arith.constant 0 : i32
    %dma_start3A_30 = arith.constant 0 : i32
    %dma_start3A_31 = tpu.memref_slice %arg2[%dma_start3A_29, %dma_start3A_30] : memref<20480x64xf32, #tpu.memory_space<hbm>> -> memref<20480x64xf32, #tpu.memory_space<hbm>>
    %dma_start3A_32 = tpu.memref_slice %arg10[%dma_start3A_21] : memref<4x!tpu.dma_semaphore, #tpu.memory_space<semaphore_mem>> -> memref<1x!tpu.dma_semaphore, #tpu.memory_space<semaphore_mem>>
    %dma_start3A_33 = tpu.memref_squeeze %dma_start3A_32 : memref<1x!tpu.dma_semaphore, #tpu.memory_space<semaphore_mem>> -> memref<!tpu.dma_semaphore, #tpu.memory_space<semaphore_mem>>
    tpu.enqueue_indirect_dma source(%dma_start3A_31 : memref<20480x64xf32, #tpu.memory_space<hbm>>) target(%dma_start3A_25 : memref<125x64xf32, #tpu.memory_space<vmem>>) offsets(%dma_start3A_28 : memref<125xi32, #tpu.memory_space<vmem>>) semaphore(%dma_start3A_33 : memref<!tpu.dma_semaphore, #tpu.memory_space<semaphore_mem>>)
    %dma_start3A_34 = arith.constant 2 : i32
    %dma_start3A_35 = arith.constant 2 : i32
    %dma_start3A_36 = arith.constant 2 : i32
    %dma_start3A_37 = arith.constant 0 : i32
    %dma_start3A_38 = arith.constant 0 : i32
    %dma_start3A_39 = tpu.memref_slice %arg8[%dma_start3A_35, %dma_start3A_37, %dma_start3A_38] : memref<4x125x64xf32, #tpu.memory_space<vmem>> -> memref<1x125x64xf32, #tpu.memory_space<vmem>>
    %dma_start3A_40 = tpu.memref_squeeze %dma_start3A_39 : memref<1x125x64xf32, #tpu.memory_space<vmem>> -> memref<125x64xf32, #tpu.memory_space<vmem>>
    %dma_start3A_41 = arith.constant 0 : i32
    %dma_start3A_42 = tpu.memref_slice %arg6[%dma_start3A_34, %dma_start3A_41] : memref<160x125xi32, #tpu.memory_space<vmem>> -> memref<1x125xi32, #tpu.memory_space<vmem>>
    %dma_start3A_43 = tpu.memref_squeeze %dma_start3A_42 : memref<1x125xi32, #tpu.memory_space<vmem>> -> memref<125xi32, #tpu.memory_space<vmem>>
    %dma_start3A_44 = arith.constant 0 : i32
    %dma_start3A_45 = arith.constant 0 : i32
    %dma_start3A_46 = tpu.memref_slice %arg2[%dma_start3A_44, %dma_start3A_45] : memref<20480x64xf32, #tpu.memory_space<hbm>> -> memref<20480x64xf32, #tpu.memory_space<hbm>>
    %dma_start3A_47 = tpu.memref_slice %arg10[%dma_start3A_36] : memref<4x!tpu.dma_semaphore, #tpu.memory_space<semaphore_mem>> -> memref<1x!tpu.dma_semaphore, #tpu.memory_space<semaphore_mem>>
    %dma_start3A_48 = tpu.memref_squeeze %dma_start3A_47 : memref<1x!tpu.dma_semaphore, #tpu.memory_space<semaphore_mem>> -> memref<!tpu.dma_semaphore, #tpu.memory_space<semaphore_mem>>
    tpu.enqueue_indirect_dma source(%dma_start3A_46 : memref<20480x64xf32, #tpu.memory_space<hbm>>) target(%dma_start3A_40 : memref<125x64xf32, #tpu.memory_space<vmem>>) offsets(%dma_start3A_43 : memref<125xi32, #tpu.memory_space<vmem>>) semaphore(%dma_start3A_48 : memref<!tpu.dma_semaphore, #tpu.memory_space<semaphore_mem>>)
    %dma_start3A_49 = arith.constant 3 : i32
    %dma_start3A_50 = arith.constant 3 : i32
    %dma_start3A_51 = arith.constant 3 : i32
    %dma_start3A_52 = arith.constant 0 : i32
    %dma_start3A_53 = arith.constant 0 : i32
    %dma_start3A_54 = tpu.memref_slice %arg8[%dma_start3A_50, %dma_start3A_52, %dma_start3A_53] : memref<4x125x64xf32, #tpu.memory_space<vmem>> -> memref<1x125x64xf32, #tpu.memory_space<vmem>>
    %dma_start3A_55 = tpu.memref_squeeze %dma_start3A_54 : memref<1x125x64xf32, #tpu.memory_space<vmem>> -> memref<125x64xf32, #tpu.memory_space<vmem>>
    %dma_start3A_56 = arith.constant 0 : i32
    %dma_start3A_57 = tpu.memref_slice %arg6[%dma_start3A_49, %dma_start3A_56] : memref<160x125xi32, #tpu.memory_space<vmem>> -> memref<1x125xi32, #tpu.memory_space<vmem>>
    %dma_start3A_58 = tpu.memref_squeeze %dma_start3A_57 : memref<1x125xi32, #tpu.memory_space<vmem>> -> memref<125xi32, #tpu.memory_space<vmem>>
    %dma_start3A_59 = arith.constant 0 : i32
    %dma_start3A_60 = arith.constant 0 : i32
    %dma_start3A_61 = tpu.memref_slice %arg2[%dma_start3A_59, %dma_start3A_60] : memref<20480x64xf32, #tpu.memory_space<hbm>> -> memref<20480x64xf32, #tpu.memory_space<hbm>>
    %dma_start3A_62 = tpu.memref_slice %arg10[%dma_start3A_51] : memref<4x!tpu.dma_semaphore, #tpu.memory_space<semaphore_mem>> -> memref<1x!tpu.dma_semaphore, #tpu.memory_space<semaphore_mem>>
    %dma_start3A_63 = tpu.memref_squeeze %dma_start3A_62 : memref<1x!tpu.dma_semaphore, #tpu.memory_space<semaphore_mem>> -> memref<!tpu.dma_semaphore, #tpu.memory_space<semaphore_mem>>
    tpu.enqueue_indirect_dma source(%dma_start3A_61 : memref<20480x64xf32, #tpu.memory_space<hbm>>) target(%dma_start3A_55 : memref<125x64xf32, #tpu.memory_space<vmem>>) offsets(%dma_start3A_58 : memref<125xi32, #tpu.memory_space<vmem>>) semaphore(%dma_start3A_63 : memref<!tpu.dma_semaphore, #tpu.memory_space<semaphore_mem>>)
    %scan3A = arith.constant 0 : i32
    %scan3A_64 = arith.constant 40 : i32
    %scan3A_65 = arith.addi %scan3A, %scan3A_64 : i32
    %scan3A_66 = arith.constant 1 : i32
    scf.for %scan3A_75 = %scan3A to %scan3A_65 step %scan3A_66  : i32 {
      %mul3A_76 = arith.constant 1 : i32
      %mul3A_77 = arith.muli %scan3A_75, %mul3A_76 : i32
      %add3A_78 = arith.constant 0 : i32
      %add3A_79 = arith.addi %add3A_78, %mul3A_77 : i32
      %mul3A_80 = arith.constant 4 : i32
      %mul3A_81 = arith.muli %add3A_79, %mul3A_80 : i32
      %add3A_82 = arith.constant 0 : i32
      %add3A_83 = arith.addi %mul3A_81, %add3A_82 : i32
      %dma_wait3A = arith.constant 0 : i32
      %dma_wait3A_84 = arith.constant 0 : i32
      %dma_wait3A_85 = arith.constant 0 : i32
      %dma_wait3A_86 = arith.constant 0 : i32
      %dma_wait3A_87 = tpu.memref_slice %arg8[%dma_wait3A, %dma_wait3A_85, %dma_wait3A_86] : memref<4x125x64xf32, #tpu.memory_space<vmem>> -> memref<1x125x64xf32, #tpu.memory_space<vmem>>
      %dma_wait3A_88 = tpu.memref_squeeze %dma_wait3A_87 : memref<1x125x64xf32, #tpu.memory_space<vmem>> -> memref<125x64xf32, #tpu.memory_space<vmem>>
      %dma_wait3A_89 = arith.constant 0 : i32
      %dma_wait3A_90 = tpu.memref_slice %arg6[%add3A_83, %dma_wait3A_89] : memref<160x125xi32, #tpu.memory_space<vmem>> -> memref<1x125xi32, #tpu.memory_space<vmem>>
      %dma_wait3A_91 = tpu.memref_squeeze %dma_wait3A_90 : memref<1x125xi32, #tpu.memory_space<vmem>> -> memref<125xi32, #tpu.memory_space<vmem>>
      %dma_wait3A_92 = arith.constant 0 : i32
      %dma_wait3A_93 = arith.constant 0 : i32
      %dma_wait3A_94 = tpu.memref_slice %arg2[%dma_wait3A_92, %dma_wait3A_93] : memref<20480x64xf32, #tpu.memory_space<hbm>> -> memref<20480x64xf32, #tpu.memory_space<hbm>>
      %dma_wait3A_95 = tpu.memref_slice %arg10[%dma_wait3A_84] : memref<4x!tpu.dma_semaphore, #tpu.memory_space<semaphore_mem>> -> memref<1x!tpu.dma_semaphore, #tpu.memory_space<semaphore_mem>>
      %dma_wait3A_96 = tpu.memref_squeeze %dma_wait3A_95 : memref<1x!tpu.dma_semaphore, #tpu.memory_space<semaphore_mem>> -> memref<!tpu.dma_semaphore, #tpu.memory_space<semaphore_mem>>
      tpu.wait_indirect_dma semaphore(%dma_wait3A_96 : memref<!tpu.dma_semaphore, #tpu.memory_space<semaphore_mem>>) src(%dma_wait3A_94 : memref<20480x64xf32, #tpu.memory_space<hbm>>) dst(%dma_wait3A_88 : memref<125x64xf32, #tpu.memory_space<vmem>>)
      %run_scoped3A_97 = arith.constant 0 : i32
      "tpu.region"() ({
        %run_scoped3A_174 = tpu.sem_alloc : memref<!tpu.dma_semaphore, #tpu.memory_space<semaphore_mem>>
        %dma_start3A_175 = arith.constant 0 : i32
        %dma_start3A_176 = arith.constant 0 : i32
        %dma_start3A_177 = tpu.memref_slice %arg8[%run_scoped3A_97, %dma_start3A_175, %dma_start3A_176] : memref<4x125x64xf32, #tpu.memory_space<vmem>> -> memref<1x125x64xf32, #tpu.memory_space<vmem>>
        %dma_start3A_178 = tpu.memref_squeeze %dma_start3A_177 : memref<1x125x64xf32, #tpu.memory_space<vmem>> -> memref<125x64xf32, #tpu.memory_space<vmem>>
        %dma_start3A_179 = arith.constant 0 : i32
        %dma_start3A_180 = tpu.memref_slice %arg7[%add3A_83, %dma_start3A_179] : memref<161x125xi32, #tpu.memory_space<vmem>> -> memref<1x125xi32, #tpu.memory_space<vmem>>
        %dma_start3A_181 = tpu.memref_squeeze %dma_start3A_180 : memref<1x125xi32, #tpu.memory_space<vmem>> -> memref<125xi32, #tpu.memory_space<vmem>>
        %dma_start3A_182 = arith.constant 0 : i32
        %dma_start3A_183 = arith.constant 0 : i32
        %dma_start3A_184 = tpu.memref_slice %arg9[%dma_start3A_182, %dma_start3A_183] : memref<10240x64xf32, #tpu.memory_space<vmem_shared>> -> memref<10240x64xf32, #tpu.memory_space<vmem_shared>>
        tpu.enqueue_indirect_dma source(%dma_start3A_178 : memref<125x64xf32, #tpu.memory_space<vmem>>) target(%dma_start3A_184 : memref<10240x64xf32, #tpu.memory_space<vmem_shared>>) offsets(%dma_start3A_181 : memref<125xi32, #tpu.memory_space<vmem>>) semaphore(%run_scoped3A_174 : memref<!tpu.dma_semaphore, #tpu.memory_space<semaphore_mem>>) {add = true}
        %dma_wait3A_185 = arith.constant 0 : i32
        %dma_wait3A_186 = arith.constant 0 : i32
        %dma_wait3A_187 = tpu.memref_slice %arg8[%run_scoped3A_97, %dma_wait3A_185, %dma_wait3A_186] : memref<4x125x64xf32, #tpu.memory_space<vmem>> -> memref<1x125x64xf32, #tpu.memory_space<vmem>>
        %dma_wait3A_188 = tpu.memref_squeeze %dma_wait3A_187 : memref<1x125x64xf32, #tpu.memory_space<vmem>> -> memref<125x64xf32, #tpu.memory_space<vmem>>
        %dma_wait3A_189 = arith.constant 0 : i32
        %dma_wait3A_190 = tpu.memref_slice %arg7[%add3A_83, %dma_wait3A_189] : memref<161x125xi32, #tpu.memory_space<vmem>> -> memref<1x125xi32, #tpu.memory_space<vmem>>
        %dma_wait3A_191 = tpu.memref_squeeze %dma_wait3A_190 : memref<1x125xi32, #tpu.memory_space<vmem>> -> memref<125xi32, #tpu.memory_space<vmem>>
        %dma_wait3A_192 = arith.constant 0 : i32
        %dma_wait3A_193 = arith.constant 0 : i32
        %dma_wait3A_194 = tpu.memref_slice %arg9[%dma_wait3A_192, %dma_wait3A_193] : memref<10240x64xf32, #tpu.memory_space<vmem_shared>> -> memref<10240x64xf32, #tpu.memory_space<vmem_shared>>
        tpu.wait_indirect_dma semaphore(%run_scoped3A_174 : memref<!tpu.dma_semaphore, #tpu.memory_space<semaphore_mem>>) src(%dma_wait3A_188 : memref<125x64xf32, #tpu.memory_space<vmem>>) dst(%dma_wait3A_194 : memref<10240x64xf32, #tpu.memory_space<vmem_shared>>)
        tpu.yield
      }) : () -> ()
      %add3A_98 = arith.constant 4 : i32
      %add3A_99 = arith.addi %add3A_83, %add3A_98 : i32
      %lt3A = arith.constant 160 : i32
      %lt3A_100 = arith.cmpi slt, %add3A_99, %lt3A : i32
      %convert_element_type3A = arith.extui %lt3A_100 : i1 to i32
      %cond3A = arith.constant 0 : i32
      %cond3A_101 = arith.cmpi ne, %convert_element_type3A, %cond3A : i32
      scf.if %cond3A_101 {
        %add3A_174 = arith.constant 4 : i32
        %add3A_175 = arith.addi %add3A_83, %add3A_174 : i32
        %dma_start3A_176 = arith.constant 0 : i32
        %dma_start3A_177 = arith.constant 0 : i32
        %dma_start3A_178 = arith.constant 0 : i32
        %dma_start3A_179 = arith.constant 0 : i32
        %dma_start3A_180 = tpu.memref_slice %arg8[%dma_start3A_176, %dma_start3A_178, %dma_start3A_179] : memref<4x125x64xf32, #tpu.memory_space<vmem>> -> memref<1x125x64xf32, #tpu.memory_space<vmem>>
        %dma_start3A_181 = tpu.memref_squeeze %dma_start3A_180 : memref<1x125x64xf32, #tpu.memory_space<vmem>> -> memref<125x64xf32, #tpu.memory_space<vmem>>
        %dma_start3A_182 = arith.constant 0 : i32
        %dma_start3A_183 = tpu.memref_slice %arg6[%add3A_175, %dma_start3A_182] : memref<160x125xi32, #tpu.memory_space<vmem>> -> memref<1x125xi32, #tpu.memory_space<vmem>>
        %dma_start3A_184 = tpu.memref_squeeze %dma_start3A_183 : memref<1x125xi32, #tpu.memory_space<vmem>> -> memref<125xi32, #tpu.memory_space<vmem>>
        %dma_start3A_185 = arith.constant 0 : i32
        %dma_start3A_186 = arith.constant 0 : i32
        %dma_start3A_187 = tpu.memref_slice %arg2[%dma_start3A_185, %dma_start3A_186] : memref<20480x64xf32, #tpu.memory_space<hbm>> -> memref<20480x64xf32, #tpu.memory_space<hbm>>
        %dma_start3A_188 = tpu.memref_slice %arg10[%dma_start3A_177] : memref<4x!tpu.dma_semaphore, #tpu.memory_space<semaphore_mem>> -> memref<1x!tpu.dma_semaphore, #tpu.memory_space<semaphore_mem>>
        %dma_start3A_189 = tpu.memref_squeeze %dma_start3A_188 : memref<1x!tpu.dma_semaphore, #tpu.memory_space<semaphore_mem>> -> memref<!tpu.dma_semaphore, #tpu.memory_space<semaphore_mem>>
        tpu.enqueue_indirect_dma source(%dma_start3A_187 : memref<20480x64xf32, #tpu.memory_space<hbm>>) target(%dma_start3A_181 : memref<125x64xf32, #tpu.memory_space<vmem>>) offsets(%dma_start3A_184 : memref<125xi32, #tpu.memory_space<vmem>>) semaphore(%dma_start3A_189 : memref<!tpu.dma_semaphore, #tpu.memory_space<semaphore_mem>>)
      } else {
      }
      %add3A_102 = arith.constant 1 : i32
      %add3A_103 = arith.addi %mul3A_81, %add3A_102 : i32
      %dma_wait3A_104 = arith.constant 1 : i32
      %dma_wait3A_105 = arith.constant 1 : i32
      %dma_wait3A_106 = arith.constant 0 : i32
      %dma_wait3A_107 = arith.constant 0 : i32
      %dma_wait3A_108 = tpu.memref_slice %arg8[%dma_wait3A_104, %dma_wait3A_106, %dma_wait3A_107] : memref<4x125x64xf32, #tpu.memory_space<vmem>> -> memref<1x125x64xf32, #tpu.memory_space<vmem>>
      %dma_wait3A_109 = tpu.memref_squeeze %dma_wait3A_108 : memref<1x125x64xf32, #tpu.memory_space<vmem>> -> memref<125x64xf32, #tpu.memory_space<vmem>>
      %dma_wait3A_110 = arith.constant 0 : i32
      %dma_wait3A_111 = tpu.memref_slice %arg6[%add3A_103, %dma_wait3A_110] : memref<160x125xi32, #tpu.memory_space<vmem>> -> memref<1x125xi32, #tpu.memory_space<vmem>>
      %dma_wait3A_112 = tpu.memref_squeeze %dma_wait3A_111 : memref<1x125xi32, #tpu.memory_space<vmem>> -> memref<125xi32, #tpu.memory_space<vmem>>
      %dma_wait3A_113 = arith.constant 0 : i32
      %dma_wait3A_114 = arith.constant 0 : i32
      %dma_wait3A_115 = tpu.memref_slice %arg2[%dma_wait3A_113, %dma_wait3A_114] : memref<20480x64xf32, #tpu.memory_space<hbm>> -> memref<20480x64xf32, #tpu.memory_space<hbm>>
      %dma_wait3A_116 = tpu.memref_slice %arg10[%dma_wait3A_105] : memref<4x!tpu.dma_semaphore, #tpu.memory_space<semaphore_mem>> -> memref<1x!tpu.dma_semaphore, #tpu.memory_space<semaphore_mem>>
      %dma_wait3A_117 = tpu.memref_squeeze %dma_wait3A_116 : memref<1x!tpu.dma_semaphore, #tpu.memory_space<semaphore_mem>> -> memref<!tpu.dma_semaphore, #tpu.memory_space<semaphore_mem>>
      tpu.wait_indirect_dma semaphore(%dma_wait3A_117 : memref<!tpu.dma_semaphore, #tpu.memory_space<semaphore_mem>>) src(%dma_wait3A_115 : memref<20480x64xf32, #tpu.memory_space<hbm>>) dst(%dma_wait3A_109 : memref<125x64xf32, #tpu.memory_space<vmem>>)
      %run_scoped3A_118 = arith.constant 1 : i32
      "tpu.region"() ({
        %run_scoped3A_174 = tpu.sem_alloc : memref<!tpu.dma_semaphore, #tpu.memory_space<semaphore_mem>>
        %dma_start3A_175 = arith.constant 0 : i32
        %dma_start3A_176 = arith.constant 0 : i32
        %dma_start3A_177 = tpu.memref_slice %arg8[%run_scoped3A_118, %dma_start3A_175, %dma_start3A_176] : memref<4x125x64xf32, #tpu.memory_space<vmem>> -> memref<1x125x64xf32, #tpu.memory_space<vmem>>
        %dma_start3A_178 = tpu.memref_squeeze %dma_start3A_177 : memref<1x125x64xf32, #tpu.memory_space<vmem>> -> memref<125x64xf32, #tpu.memory_space<vmem>>
        %dma_start3A_179 = arith.constant 0 : i32
        %dma_start3A_180 = tpu.memref_slice %arg7[%add3A_103, %dma_start3A_179] : memref<161x125xi32, #tpu.memory_space<vmem>> -> memref<1x125xi32, #tpu.memory_space<vmem>>
        %dma_start3A_181 = tpu.memref_squeeze %dma_start3A_180 : memref<1x125xi32, #tpu.memory_space<vmem>> -> memref<125xi32, #tpu.memory_space<vmem>>
        %dma_start3A_182 = arith.constant 0 : i32
        %dma_start3A_183 = arith.constant 0 : i32
        %dma_start3A_184 = tpu.memref_slice %arg9[%dma_start3A_182, %dma_start3A_183] : memref<10240x64xf32, #tpu.memory_space<vmem_shared>> -> memref<10240x64xf32, #tpu.memory_space<vmem_shared>>
        tpu.enqueue_indirect_dma source(%dma_start3A_178 : memref<125x64xf32, #tpu.memory_space<vmem>>) target(%dma_start3A_184 : memref<10240x64xf32, #tpu.memory_space<vmem_shared>>) offsets(%dma_start3A_181 : memref<125xi32, #tpu.memory_space<vmem>>) semaphore(%run_scoped3A_174 : memref<!tpu.dma_semaphore, #tpu.memory_space<semaphore_mem>>) {add = true}
        %dma_wait3A_185 = arith.constant 0 : i32
        %dma_wait3A_186 = arith.constant 0 : i32
        %dma_wait3A_187 = tpu.memref_slice %arg8[%run_scoped3A_118, %dma_wait3A_185, %dma_wait3A_186] : memref<4x125x64xf32, #tpu.memory_space<vmem>> -> memref<1x125x64xf32, #tpu.memory_space<vmem>>
        %dma_wait3A_188 = tpu.memref_squeeze %dma_wait3A_187 : memref<1x125x64xf32, #tpu.memory_space<vmem>> -> memref<125x64xf32, #tpu.memory_space<vmem>>
        %dma_wait3A_189 = arith.constant 0 : i32
        %dma_wait3A_190 = tpu.memref_slice %arg7[%add3A_103, %dma_wait3A_189] : memref<161x125xi32, #tpu.memory_space<vmem>> -> memref<1x125xi32, #tpu.memory_space<vmem>>
        %dma_wait3A_191 = tpu.memref_squeeze %dma_wait3A_190 : memref<1x125xi32, #tpu.memory_space<vmem>> -> memref<125xi32, #tpu.memory_space<vmem>>
        %dma_wait3A_192 = arith.constant 0 : i32
        %dma_wait3A_193 = arith.constant 0 : i32
        %dma_wait3A_194 = tpu.memref_slice %arg9[%dma_wait3A_192, %dma_wait3A_193] : memref<10240x64xf32, #tpu.memory_space<vmem_shared>> -> memref<10240x64xf32, #tpu.memory_space<vmem_shared>>
        tpu.wait_indirect_dma semaphore(%run_scoped3A_174 : memref<!tpu.dma_semaphore, #tpu.memory_space<semaphore_mem>>) src(%dma_wait3A_188 : memref<125x64xf32, #tpu.memory_space<vmem>>) dst(%dma_wait3A_194 : memref<10240x64xf32, #tpu.memory_space<vmem_shared>>)
        tpu.yield
      }) : () -> ()
      %add3A_119 = arith.constant 4 : i32
      %add3A_120 = arith.addi %add3A_103, %add3A_119 : i32
      %lt3A_121 = arith.constant 160 : i32
      %lt3A_122 = arith.cmpi slt, %add3A_120, %lt3A_121 : i32
      %convert_element_type3A_123 = arith.extui %lt3A_122 : i1 to i32
      %cond3A_124 = arith.constant 0 : i32
      %cond3A_125 = arith.cmpi ne, %convert_element_type3A_123, %cond3A_124 : i32
      scf.if %cond3A_125 {
        %add3A_174 = arith.constant 4 : i32
        %add3A_175 = arith.addi %add3A_103, %add3A_174 : i32
        %dma_start3A_176 = arith.constant 1 : i32
        %dma_start3A_177 = arith.constant 1 : i32
        %dma_start3A_178 = arith.constant 0 : i32
        %dma_start3A_179 = arith.constant 0 : i32
        %dma_start3A_180 = tpu.memref_slice %arg8[%dma_start3A_176, %dma_start3A_178, %dma_start3A_179] : memref<4x125x64xf32, #tpu.memory_space<vmem>> -> memref<1x125x64xf32, #tpu.memory_space<vmem>>
        %dma_start3A_181 = tpu.memref_squeeze %dma_start3A_180 : memref<1x125x64xf32, #tpu.memory_space<vmem>> -> memref<125x64xf32, #tpu.memory_space<vmem>>
        %dma_start3A_182 = arith.constant 0 : i32
        %dma_start3A_183 = tpu.memref_slice %arg6[%add3A_175, %dma_start3A_182] : memref<160x125xi32, #tpu.memory_space<vmem>> -> memref<1x125xi32, #tpu.memory_space<vmem>>
        %dma_start3A_184 = tpu.memref_squeeze %dma_start3A_183 : memref<1x125xi32, #tpu.memory_space<vmem>> -> memref<125xi32, #tpu.memory_space<vmem>>
        %dma_start3A_185 = arith.constant 0 : i32
        %dma_start3A_186 = arith.constant 0 : i32
        %dma_start3A_187 = tpu.memref_slice %arg2[%dma_start3A_185, %dma_start3A_186] : memref<20480x64xf32, #tpu.memory_space<hbm>> -> memref<20480x64xf32, #tpu.memory_space<hbm>>
        %dma_start3A_188 = tpu.memref_slice %arg10[%dma_start3A_177] : memref<4x!tpu.dma_semaphore, #tpu.memory_space<semaphore_mem>> -> memref<1x!tpu.dma_semaphore, #tpu.memory_space<semaphore_mem>>
        %dma_start3A_189 = tpu.memref_squeeze %dma_start3A_188 : memref<1x!tpu.dma_semaphore, #tpu.memory_space<semaphore_mem>> -> memref<!tpu.dma_semaphore, #tpu.memory_space<semaphore_mem>>
        tpu.enqueue_indirect_dma source(%dma_start3A_187 : memref<20480x64xf32, #tpu.memory_space<hbm>>) target(%dma_start3A_181 : memref<125x64xf32, #tpu.memory_space<vmem>>) offsets(%dma_start3A_184 : memref<125xi32, #tpu.memory_space<vmem>>) semaphore(%dma_start3A_189 : memref<!tpu.dma_semaphore, #tpu.memory_space<semaphore_mem>>)
      } else {
      }
      %add3A_126 = arith.constant 2 : i32
      %add3A_127 = arith.addi %mul3A_81, %add3A_126 : i32
      %dma_wait3A_128 = arith.constant 2 : i32
      %dma_wait3A_129 = arith.constant 2 : i32
      %dma_wait3A_130 = arith.constant 0 : i32
      %dma_wait3A_131 = arith.constant 0 : i32
      %dma_wait3A_132 = tpu.memref_slice %arg8[%dma_wait3A_128, %dma_wait3A_130, %dma_wait3A_131] : memref<4x125x64xf32, #tpu.memory_space<vmem>> -> memref<1x125x64xf32, #tpu.memory_space<vmem>>
      %dma_wait3A_133 = tpu.memref_squeeze %dma_wait3A_132 : memref<1x125x64xf32, #tpu.memory_space<vmem>> -> memref<125x64xf32, #tpu.memory_space<vmem>>
      %dma_wait3A_134 = arith.constant 0 : i32
      %dma_wait3A_135 = tpu.memref_slice %arg6[%add3A_127, %dma_wait3A_134] : memref<160x125xi32, #tpu.memory_space<vmem>> -> memref<1x125xi32, #tpu.memory_space<vmem>>
      %dma_wait3A_136 = tpu.memref_squeeze %dma_wait3A_135 : memref<1x125xi32, #tpu.memory_space<vmem>> -> memref<125xi32, #tpu.memory_space<vmem>>
      %dma_wait3A_137 = arith.constant 0 : i32
      %dma_wait3A_138 = arith.constant 0 : i32
      %dma_wait3A_139 = tpu.memref_slice %arg2[%dma_wait3A_137, %dma_wait3A_138] : memref<20480x64xf32, #tpu.memory_space<hbm>> -> memref<20480x64xf32, #tpu.memory_space<hbm>>
      %dma_wait3A_140 = tpu.memref_slice %arg10[%dma_wait3A_129] : memref<4x!tpu.dma_semaphore, #tpu.memory_space<semaphore_mem>> -> memref<1x!tpu.dma_semaphore, #tpu.memory_space<semaphore_mem>>
      %dma_wait3A_141 = tpu.memref_squeeze %dma_wait3A_140 : memref<1x!tpu.dma_semaphore, #tpu.memory_space<semaphore_mem>> -> memref<!tpu.dma_semaphore, #tpu.memory_space<semaphore_mem>>
      tpu.wait_indirect_dma semaphore(%dma_wait3A_141 : memref<!tpu.dma_semaphore, #tpu.memory_space<semaphore_mem>>) src(%dma_wait3A_139 : memref<20480x64xf32, #tpu.memory_space<hbm>>) dst(%dma_wait3A_133 : memref<125x64xf32, #tpu.memory_space<vmem>>)
      %run_scoped3A_142 = arith.constant 2 : i32
      "tpu.region"() ({
        %run_scoped3A_174 = tpu.sem_alloc : memref<!tpu.dma_semaphore, #tpu.memory_space<semaphore_mem>>
        %dma_start3A_175 = arith.constant 0 : i32
        %dma_start3A_176 = arith.constant 0 : i32
        %dma_start3A_177 = tpu.memref_slice %arg8[%run_scoped3A_142, %dma_start3A_175, %dma_start3A_176] : memref<4x125x64xf32, #tpu.memory_space<vmem>> -> memref<1x125x64xf32, #tpu.memory_space<vmem>>
        %dma_start3A_178 = tpu.memref_squeeze %dma_start3A_177 : memref<1x125x64xf32, #tpu.memory_space<vmem>> -> memref<125x64xf32, #tpu.memory_space<vmem>>
        %dma_start3A_179 = arith.constant 0 : i32
        %dma_start3A_180 = tpu.memref_slice %arg7[%add3A_127, %dma_start3A_179] : memref<161x125xi32, #tpu.memory_space<vmem>> -> memref<1x125xi32, #tpu.memory_space<vmem>>
        %dma_start3A_181 = tpu.memref_squeeze %dma_start3A_180 : memref<1x125xi32, #tpu.memory_space<vmem>> -> memref<125xi32, #tpu.memory_space<vmem>>
        %dma_start3A_182 = arith.constant 0 : i32
        %dma_start3A_183 = arith.constant 0 : i32
        %dma_start3A_184 = tpu.memref_slice %arg9[%dma_start3A_182, %dma_start3A_183] : memref<10240x64xf32, #tpu.memory_space<vmem_shared>> -> memref<10240x64xf32, #tpu.memory_space<vmem_shared>>
        tpu.enqueue_indirect_dma source(%dma_start3A_178 : memref<125x64xf32, #tpu.memory_space<vmem>>) target(%dma_start3A_184 : memref<10240x64xf32, #tpu.memory_space<vmem_shared>>) offsets(%dma_start3A_181 : memref<125xi32, #tpu.memory_space<vmem>>) semaphore(%run_scoped3A_174 : memref<!tpu.dma_semaphore, #tpu.memory_space<semaphore_mem>>) {add = true}
        %dma_wait3A_185 = arith.constant 0 : i32
        %dma_wait3A_186 = arith.constant 0 : i32
        %dma_wait3A_187 = tpu.memref_slice %arg8[%run_scoped3A_142, %dma_wait3A_185, %dma_wait3A_186] : memref<4x125x64xf32, #tpu.memory_space<vmem>> -> memref<1x125x64xf32, #tpu.memory_space<vmem>>
        %dma_wait3A_188 = tpu.memref_squeeze %dma_wait3A_187 : memref<1x125x64xf32, #tpu.memory_space<vmem>> -> memref<125x64xf32, #tpu.memory_space<vmem>>
        %dma_wait3A_189 = arith.constant 0 : i32
        %dma_wait3A_190 = tpu.memref_slice %arg7[%add3A_127, %dma_wait3A_189] : memref<161x125xi32, #tpu.memory_space<vmem>> -> memref<1x125xi32, #tpu.memory_space<vmem>>
        %dma_wait3A_191 = tpu.memref_squeeze %dma_wait3A_190 : memref<1x125xi32, #tpu.memory_space<vmem>> -> memref<125xi32, #tpu.memory_space<vmem>>
        %dma_wait3A_192 = arith.constant 0 : i32
        %dma_wait3A_193 = arith.constant 0 : i32
        %dma_wait3A_194 = tpu.memref_slice %arg9[%dma_wait3A_192, %dma_wait3A_193] : memref<10240x64xf32, #tpu.memory_space<vmem_shared>> -> memref<10240x64xf32, #tpu.memory_space<vmem_shared>>
        tpu.wait_indirect_dma semaphore(%run_scoped3A_174 : memref<!tpu.dma_semaphore, #tpu.memory_space<semaphore_mem>>) src(%dma_wait3A_188 : memref<125x64xf32, #tpu.memory_space<vmem>>) dst(%dma_wait3A_194 : memref<10240x64xf32, #tpu.memory_space<vmem_shared>>)
        tpu.yield
      }) : () -> ()
      %add3A_143 = arith.constant 4 : i32
      %add3A_144 = arith.addi %add3A_127, %add3A_143 : i32
      %lt3A_145 = arith.constant 160 : i32
      %lt3A_146 = arith.cmpi slt, %add3A_144, %lt3A_145 : i32
      %convert_element_type3A_147 = arith.extui %lt3A_146 : i1 to i32
      %cond3A_148 = arith.constant 0 : i32
      %cond3A_149 = arith.cmpi ne, %convert_element_type3A_147, %cond3A_148 : i32
      scf.if %cond3A_149 {
        %add3A_174 = arith.constant 4 : i32
        %add3A_175 = arith.addi %add3A_127, %add3A_174 : i32
        %dma_start3A_176 = arith.constant 2 : i32
        %dma_start3A_177 = arith.constant 2 : i32
        %dma_start3A_178 = arith.constant 0 : i32
        %dma_start3A_179 = arith.constant 0 : i32
        %dma_start3A_180 = tpu.memref_slice %arg8[%dma_start3A_176, %dma_start3A_178, %dma_start3A_179] : memref<4x125x64xf32, #tpu.memory_space<vmem>> -> memref<1x125x64xf32, #tpu.memory_space<vmem>>
        %dma_start3A_181 = tpu.memref_squeeze %dma_start3A_180 : memref<1x125x64xf32, #tpu.memory_space<vmem>> -> memref<125x64xf32, #tpu.memory_space<vmem>>
        %dma_start3A_182 = arith.constant 0 : i32
        %dma_start3A_183 = tpu.memref_slice %arg6[%add3A_175, %dma_start3A_182] : memref<160x125xi32, #tpu.memory_space<vmem>> -> memref<1x125xi32, #tpu.memory_space<vmem>>
        %dma_start3A_184 = tpu.memref_squeeze %dma_start3A_183 : memref<1x125xi32, #tpu.memory_space<vmem>> -> memref<125xi32, #tpu.memory_space<vmem>>
        %dma_start3A_185 = arith.constant 0 : i32
        %dma_start3A_186 = arith.constant 0 : i32
        %dma_start3A_187 = tpu.memref_slice %arg2[%dma_start3A_185, %dma_start3A_186] : memref<20480x64xf32, #tpu.memory_space<hbm>> -> memref<20480x64xf32, #tpu.memory_space<hbm>>
        %dma_start3A_188 = tpu.memref_slice %arg10[%dma_start3A_177] : memref<4x!tpu.dma_semaphore, #tpu.memory_space<semaphore_mem>> -> memref<1x!tpu.dma_semaphore, #tpu.memory_space<semaphore_mem>>
        %dma_start3A_189 = tpu.memref_squeeze %dma_start3A_188 : memref<1x!tpu.dma_semaphore, #tpu.memory_space<semaphore_mem>> -> memref<!tpu.dma_semaphore, #tpu.memory_space<semaphore_mem>>
        tpu.enqueue_indirect_dma source(%dma_start3A_187 : memref<20480x64xf32, #tpu.memory_space<hbm>>) target(%dma_start3A_181 : memref<125x64xf32, #tpu.memory_space<vmem>>) offsets(%dma_start3A_184 : memref<125xi32, #tpu.memory_space<vmem>>) semaphore(%dma_start3A_189 : memref<!tpu.dma_semaphore, #tpu.memory_space<semaphore_mem>>)
      } else {
      }
      %add3A_150 = arith.constant 3 : i32
      %add3A_151 = arith.addi %mul3A_81, %add3A_150 : i32
      %dma_wait3A_152 = arith.constant 3 : i32
      %dma_wait3A_153 = arith.constant 3 : i32
      %dma_wait3A_154 = arith.constant 0 : i32
      %dma_wait3A_155 = arith.constant 0 : i32
      %dma_wait3A_156 = tpu.memref_slice %arg8[%dma_wait3A_152, %dma_wait3A_154, %dma_wait3A_155] : memref<4x125x64xf32, #tpu.memory_space<vmem>> -> memref<1x125x64xf32, #tpu.memory_space<vmem>>
      %dma_wait3A_157 = tpu.memref_squeeze %dma_wait3A_156 : memref<1x125x64xf32, #tpu.memory_space<vmem>> -> memref<125x64xf32, #tpu.memory_space<vmem>>
      %dma_wait3A_158 = arith.constant 0 : i32
      %dma_wait3A_159 = tpu.memref_slice %arg6[%add3A_151, %dma_wait3A_158] : memref<160x125xi32, #tpu.memory_space<vmem>> -> memref<1x125xi32, #tpu.memory_space<vmem>>
      %dma_wait3A_160 = tpu.memref_squeeze %dma_wait3A_159 : memref<1x125xi32, #tpu.memory_space<vmem>> -> memref<125xi32, #tpu.memory_space<vmem>>
      %dma_wait3A_161 = arith.constant 0 : i32
      %dma_wait3A_162 = arith.constant 0 : i32
      %dma_wait3A_163 = tpu.memref_slice %arg2[%dma_wait3A_161, %dma_wait3A_162] : memref<20480x64xf32, #tpu.memory_space<hbm>> -> memref<20480x64xf32, #tpu.memory_space<hbm>>
      %dma_wait3A_164 = tpu.memref_slice %arg10[%dma_wait3A_153] : memref<4x!tpu.dma_semaphore, #tpu.memory_space<semaphore_mem>> -> memref<1x!tpu.dma_semaphore, #tpu.memory_space<semaphore_mem>>
      %dma_wait3A_165 = tpu.memref_squeeze %dma_wait3A_164 : memref<1x!tpu.dma_semaphore, #tpu.memory_space<semaphore_mem>> -> memref<!tpu.dma_semaphore, #tpu.memory_space<semaphore_mem>>
      tpu.wait_indirect_dma semaphore(%dma_wait3A_165 : memref<!tpu.dma_semaphore, #tpu.memory_space<semaphore_mem>>) src(%dma_wait3A_163 : memref<20480x64xf32, #tpu.memory_space<hbm>>) dst(%dma_wait3A_157 : memref<125x64xf32, #tpu.memory_space<vmem>>)
      %run_scoped3A_166 = arith.constant 3 : i32
      "tpu.region"() ({
        %run_scoped3A_174 = tpu.sem_alloc : memref<!tpu.dma_semaphore, #tpu.memory_space<semaphore_mem>>
        %dma_start3A_175 = arith.constant 0 : i32
        %dma_start3A_176 = arith.constant 0 : i32
        %dma_start3A_177 = tpu.memref_slice %arg8[%run_scoped3A_166, %dma_start3A_175, %dma_start3A_176] : memref<4x125x64xf32, #tpu.memory_space<vmem>> -> memref<1x125x64xf32, #tpu.memory_space<vmem>>
        %dma_start3A_178 = tpu.memref_squeeze %dma_start3A_177 : memref<1x125x64xf32, #tpu.memory_space<vmem>> -> memref<125x64xf32, #tpu.memory_space<vmem>>
        %dma_start3A_179 = arith.constant 0 : i32
        %dma_start3A_180 = tpu.memref_slice %arg7[%add3A_151, %dma_start3A_179] : memref<161x125xi32, #tpu.memory_space<vmem>> -> memref<1x125xi32, #tpu.memory_space<vmem>>
        %dma_start3A_181 = tpu.memref_squeeze %dma_start3A_180 : memref<1x125xi32, #tpu.memory_space<vmem>> -> memref<125xi32, #tpu.memory_space<vmem>>
        %dma_start3A_182 = arith.constant 0 : i32
        %dma_start3A_183 = arith.constant 0 : i32
        %dma_start3A_184 = tpu.memref_slice %arg9[%dma_start3A_182, %dma_start3A_183] : memref<10240x64xf32, #tpu.memory_space<vmem_shared>> -> memref<10240x64xf32, #tpu.memory_space<vmem_shared>>
        tpu.enqueue_indirect_dma source(%dma_start3A_178 : memref<125x64xf32, #tpu.memory_space<vmem>>) target(%dma_start3A_184 : memref<10240x64xf32, #tpu.memory_space<vmem_shared>>) offsets(%dma_start3A_181 : memref<125xi32, #tpu.memory_space<vmem>>) semaphore(%run_scoped3A_174 : memref<!tpu.dma_semaphore, #tpu.memory_space<semaphore_mem>>) {add = true}
        %dma_wait3A_185 = arith.constant 0 : i32
        %dma_wait3A_186 = arith.constant 0 : i32
        %dma_wait3A_187 = tpu.memref_slice %arg8[%run_scoped3A_166, %dma_wait3A_185, %dma_wait3A_186] : memref<4x125x64xf32, #tpu.memory_space<vmem>> -> memref<1x125x64xf32, #tpu.memory_space<vmem>>
        %dma_wait3A_188 = tpu.memref_squeeze %dma_wait3A_187 : memref<1x125x64xf32, #tpu.memory_space<vmem>> -> memref<125x64xf32, #tpu.memory_space<vmem>>
        %dma_wait3A_189 = arith.constant 0 : i32
        %dma_wait3A_190 = tpu.memref_slice %arg7[%add3A_151, %dma_wait3A_189] : memref<161x125xi32, #tpu.memory_space<vmem>> -> memref<1x125xi32, #tpu.memory_space<vmem>>
        %dma_wait3A_191 = tpu.memref_squeeze %dma_wait3A_190 : memref<1x125xi32, #tpu.memory_space<vmem>> -> memref<125xi32, #tpu.memory_space<vmem>>
        %dma_wait3A_192 = arith.constant 0 : i32
        %dma_wait3A_193 = arith.constant 0 : i32
        %dma_wait3A_194 = tpu.memref_slice %arg9[%dma_wait3A_192, %dma_wait3A_193] : memref<10240x64xf32, #tpu.memory_space<vmem_shared>> -> memref<10240x64xf32, #tpu.memory_space<vmem_shared>>
        tpu.wait_indirect_dma semaphore(%run_scoped3A_174 : memref<!tpu.dma_semaphore, #tpu.memory_space<semaphore_mem>>) src(%dma_wait3A_188 : memref<125x64xf32, #tpu.memory_space<vmem>>) dst(%dma_wait3A_194 : memref<10240x64xf32, #tpu.memory_space<vmem_shared>>)
        tpu.yield
      }) : () -> ()
      %add3A_167 = arith.constant 4 : i32
      %add3A_168 = arith.addi %add3A_151, %add3A_167 : i32
      %lt3A_169 = arith.constant 160 : i32
      %lt3A_170 = arith.cmpi slt, %add3A_168, %lt3A_169 : i32
      %convert_element_type3A_171 = arith.extui %lt3A_170 : i1 to i32
      %cond3A_172 = arith.constant 0 : i32
      %cond3A_173 = arith.cmpi ne, %convert_element_type3A_171, %cond3A_172 : i32
      scf.if %cond3A_173 {
        %add3A_174 = arith.constant 4 : i32
        %add3A_175 = arith.addi %add3A_151, %add3A_174 : i32
        %dma_start3A_176 = arith.constant 3 : i32
        %dma_start3A_177 = arith.constant 3 : i32
        %dma_start3A_178 = arith.constant 0 : i32
        %dma_start3A_179 = arith.constant 0 : i32
        %dma_start3A_180 = tpu.memref_slice %arg8[%dma_start3A_176, %dma_start3A_178, %dma_start3A_179] : memref<4x125x64xf32, #tpu.memory_space<vmem>> -> memref<1x125x64xf32, #tpu.memory_space<vmem>>
        %dma_start3A_181 = tpu.memref_squeeze %dma_start3A_180 : memref<1x125x64xf32, #tpu.memory_space<vmem>> -> memref<125x64xf32, #tpu.memory_space<vmem>>
        %dma_start3A_182 = arith.constant 0 : i32
        %dma_start3A_183 = tpu.memref_slice %arg6[%add3A_175, %dma_start3A_182] : memref<160x125xi32, #tpu.memory_space<vmem>> -> memref<1x125xi32, #tpu.memory_space<vmem>>
        %dma_start3A_184 = tpu.memref_squeeze %dma_start3A_183 : memref<1x125xi32, #tpu.memory_space<vmem>> -> memref<125xi32, #tpu.memory_space<vmem>>
        %dma_start3A_185 = arith.constant 0 : i32
        %dma_start3A_186 = arith.constant 0 : i32
        %dma_start3A_187 = tpu.memref_slice %arg2[%dma_start3A_185, %dma_start3A_186] : memref<20480x64xf32, #tpu.memory_space<hbm>> -> memref<20480x64xf32, #tpu.memory_space<hbm>>
        %dma_start3A_188 = tpu.memref_slice %arg10[%dma_start3A_177] : memref<4x!tpu.dma_semaphore, #tpu.memory_space<semaphore_mem>> -> memref<1x!tpu.dma_semaphore, #tpu.memory_space<semaphore_mem>>
        %dma_start3A_189 = tpu.memref_squeeze %dma_start3A_188 : memref<1x!tpu.dma_semaphore, #tpu.memory_space<semaphore_mem>> -> memref<!tpu.dma_semaphore, #tpu.memory_space<semaphore_mem>>
        tpu.enqueue_indirect_dma source(%dma_start3A_187 : memref<20480x64xf32, #tpu.memory_space<hbm>>) target(%dma_start3A_181 : memref<125x64xf32, #tpu.memory_space<vmem>>) offsets(%dma_start3A_184 : memref<125xi32, #tpu.memory_space<vmem>>) semaphore(%dma_start3A_189 : memref<!tpu.dma_semaphore, #tpu.memory_space<semaphore_mem>>)
      } else {
      }
    }
    %scan3A_67 = arith.constant 40 : i32
    %run_scoped3A = arith.constant 0 : i32
    %run_scoped3A_68 = arith.constant 160 : i32
    "tpu.region"() ({
      %run_scoped3A_75 = tpu.sem_alloc : memref<!tpu.dma_semaphore, #tpu.memory_space<semaphore_mem>>
      %dma_start3A_76 = arith.constant 0 : i32
      %dma_start3A_77 = arith.constant 0 : i32
      %dma_start3A_78 = tpu.memref_slice %arg8[%run_scoped3A, %dma_start3A_76, %dma_start3A_77] : memref<4x125x64xf32, #tpu.memory_space<vmem>> -> memref<1x125x64xf32, #tpu.memory_space<vmem>>
      %dma_start3A_79 = tpu.memref_squeeze %dma_start3A_78 : memref<1x125x64xf32, #tpu.memory_space<vmem>> -> memref<125x64xf32, #tpu.memory_space<vmem>>
      %dma_start3A_80 = arith.constant 0 : i32
      %dma_start3A_81 = tpu.memref_slice %arg7[%run_scoped3A_68, %dma_start3A_80] : memref<161x125xi32, #tpu.memory_space<vmem>> -> memref<1x125xi32, #tpu.memory_space<vmem>>
      %dma_start3A_82 = tpu.memref_squeeze %dma_start3A_81 : memref<1x125xi32, #tpu.memory_space<vmem>> -> memref<125xi32, #tpu.memory_space<vmem>>
      %dma_start3A_83 = arith.constant 0 : i32
      %dma_start3A_84 = arith.constant 0 : i32
      %dma_start3A_85 = tpu.memref_slice %arg9[%dma_start3A_83, %dma_start3A_84] : memref<10240x64xf32, #tpu.memory_space<vmem_shared>> -> memref<10240x64xf32, #tpu.memory_space<vmem_shared>>
      tpu.enqueue_indirect_dma source(%dma_start3A_79 : memref<125x64xf32, #tpu.memory_space<vmem>>) target(%dma_start3A_85 : memref<10240x64xf32, #tpu.memory_space<vmem_shared>>) offsets(%dma_start3A_82 : memref<125xi32, #tpu.memory_space<vmem>>) semaphore(%run_scoped3A_75 : memref<!tpu.dma_semaphore, #tpu.memory_space<semaphore_mem>>) {add = true}
      %dma_wait3A = arith.constant 0 : i32
      %dma_wait3A_86 = arith.constant 0 : i32
      %dma_wait3A_87 = tpu.memref_slice %arg8[%run_scoped3A, %dma_wait3A, %dma_wait3A_86] : memref<4x125x64xf32, #tpu.memory_space<vmem>> -> memref<1x125x64xf32, #tpu.memory_space<vmem>>
      %dma_wait3A_88 = tpu.memref_squeeze %dma_wait3A_87 : memref<1x125x64xf32, #tpu.memory_space<vmem>> -> memref<125x64xf32, #tpu.memory_space<vmem>>
      %dma_wait3A_89 = arith.constant 0 : i32
      %dma_wait3A_90 = tpu.memref_slice %arg7[%run_scoped3A_68, %dma_wait3A_89] : memref<161x125xi32, #tpu.memory_space<vmem>> -> memref<1x125xi32, #tpu.memory_space<vmem>>
      %dma_wait3A_91 = tpu.memref_squeeze %dma_wait3A_90 : memref<1x125xi32, #tpu.memory_space<vmem>> -> memref<125xi32, #tpu.memory_space<vmem>>
      %dma_wait3A_92 = arith.constant 0 : i32
      %dma_wait3A_93 = arith.constant 0 : i32
      %dma_wait3A_94 = tpu.memref_slice %arg9[%dma_wait3A_92, %dma_wait3A_93] : memref<10240x64xf32, #tpu.memory_space<vmem_shared>> -> memref<10240x64xf32, #tpu.memory_space<vmem_shared>>
      tpu.wait_indirect_dma semaphore(%run_scoped3A_75 : memref<!tpu.dma_semaphore, #tpu.memory_space<semaphore_mem>>) src(%dma_wait3A_88 : memref<125x64xf32, #tpu.memory_space<vmem>>) dst(%dma_wait3A_94 : memref<10240x64xf32, #tpu.memory_space<vmem_shared>>)
      tpu.yield
    }) : () -> ()
    %barrier3A_69 = arith.constant 0 : index
    tpu.barrier barrier_id(%barrier3A_69)
    %barrier3A_70 = arith.constant 0 : index
    tpu.barrier barrier_id(%barrier3A_70)
    %mul3A_71 = arith.constant 640 : i32
    %mul3A_72 = arith.muli %arg1, %mul3A_71 : i32
    %mul3A_73 = arith.constant 640 : i32
    %mul3A_74 = arith.muli %arg1, %mul3A_73 : i32
    "tpu.region"() ({
      %run_scoped3A_75 = tpu.sem_alloc : memref<!tpu.dma_semaphore, #tpu.memory_space<semaphore_mem>>
      %dma_start3A_76 = arith.constant 0 : i32
      %dma_start3A_77 = tpu.memref_slice %arg5[%arg0, %mul3A_74, %dma_start3A_76] : memref<2x10240x64xf32, #tpu.memory_space<hbm>> -> memref<1x640x64xf32, #tpu.memory_space<hbm>>
      %dma_start3A_78 = tpu.memref_squeeze %dma_start3A_77 : memref<1x640x64xf32, #tpu.memory_space<hbm>> -> memref<640x64xf32, #tpu.memory_space<hbm>>
      %dma_start3A_79 = arith.constant 0 : i32
      %dma_start3A_80 = tpu.memref_slice %arg9[%mul3A_72, %dma_start3A_79] : memref<10240x64xf32, #tpu.memory_space<vmem_shared>> -> memref<640x64xf32, #tpu.memory_space<vmem_shared>>
      tpu.enqueue_dma source(%dma_start3A_80 : memref<640x64xf32, #tpu.memory_space<vmem_shared>>) target(%dma_start3A_78 : memref<640x64xf32, #tpu.memory_space<hbm>>) target_semaphore(%run_scoped3A_75 : memref<!tpu.dma_semaphore, #tpu.memory_space<semaphore_mem>>)
      %dma_wait3A = arith.constant 0 : i32
      %dma_wait3A_81 = tpu.memref_slice %arg5[%arg0, %mul3A_74, %dma_wait3A] : memref<2x10240x64xf32, #tpu.memory_space<hbm>> -> memref<1x640x64xf32, #tpu.memory_space<hbm>>
      %dma_wait3A_82 = tpu.memref_squeeze %dma_wait3A_81 : memref<1x640x64xf32, #tpu.memory_space<hbm>> -> memref<640x64xf32, #tpu.memory_space<hbm>>
      %dma_wait3A_83 = arith.constant 0 : i32
      %dma_wait3A_84 = tpu.memref_slice %arg9[%mul3A_72, %dma_wait3A_83] : memref<10240x64xf32, #tpu.memory_space<vmem_shared>> -> memref<640x64xf32, #tpu.memory_space<vmem_shared>>
      tpu.wait_dma2 semaphore(%run_scoped3A_75 : memref<!tpu.dma_semaphore, #tpu.memory_space<semaphore_mem>>) src(%dma_wait3A_84 : memref<640x64xf32, #tpu.memory_space<vmem_shared>>) dst(%dma_wait3A_82 : memref<640x64xf32, #tpu.memory_space<hbm>>)
      tpu.yield
    }) : () -> ()
    return
  }
}

module attributes {stable_mosaic.version = 14 : i64} {
  func.func @_tc_body(%arg0: memref<2x10240x64xf32, #tpu.memory_space<vmem>>, %arg1: memref<128x128xf32, #tpu.memory_space<vmem>>, %arg2: memref<1x128xf32, #tpu.memory_space<vmem>>, %arg3: memref<1x128xf32, #tpu.memory_space<vmem>>, %arg4: memref<1x128xf32, #tpu.memory_space<vmem>>, %arg5: memref<10000x128xf32, #tpu.memory_space<vmem>>) attributes {dimension_semantics = [], scalar_prefetch = 0 : i64, scratch_operands = 0 : i64, tpu.core_type = #tpu.core_type<tc>} {
    %get3A = arith.constant 0 : index
    %get3A_0 = arith.constant 0 : index
    %get3A_1 = arith.constant 0 : index
    %get3A_2 = vector.load %arg0[%get3A, %get3A_0, %get3A_1] : memref<2x10240x64xf32, #tpu.memory_space<vmem>>, vector<1x10000x64xf32>
    %get3A_3 = vector.shape_cast %get3A_2 : vector<1x10000x64xf32> to vector<10000x64xf32>
    %get3A_4 = arith.constant 1 : index
    %get3A_5 = arith.constant 0 : index
    %get3A_6 = arith.constant 0 : index
    %get3A_7 = vector.load %arg0[%get3A_4, %get3A_5, %get3A_6] : memref<2x10240x64xf32, #tpu.memory_space<vmem>>, vector<1x10000x64xf32>
    %get3A_8 = vector.shape_cast %get3A_7 : vector<1x10000x64xf32> to vector<10000x64xf32>
    %concatenate3A = tpu.concatenate %get3A_3, %get3A_8 in 1 : vector<10000x64xf32>, vector<10000x64xf32> -> vector<10000x128xf32>
    %get3A_9 = arith.constant 0 : index
    %get3A_10 = arith.constant 0 : index
    %get3A_11 = vector.load %arg1[%get3A_9, %get3A_10] : memref<128x128xf32, #tpu.memory_space<vmem>>, vector<128x128xf32>
    %dot_general3A = arith.constant dense<0.000000e+00> : vector<10000x128xf32>
    %dot_general3A_12 = tpu.matmul %concatenate3A, %get3A_11, %dot_general3A {dimension_numbers = #tpu.dot_dimension_numbers<[1], [0], [0], [1], [0, 0, 1, 1], [], []>, transpose_lhs_hint = false} : vector<10000x128xf32>, vector<128x128xf32>, vector<10000x128xf32> -> vector<10000x128xf32>
    %get3A_13 = arith.constant 0 : index
    %get3A_14 = arith.constant 0 : index
    %get3A_15 = vector.load %arg2[%get3A_13, %get3A_14] : memref<1x128xf32, #tpu.memory_space<vmem>>, vector<1x128xf32>
    %add3A = vector.broadcast %get3A_15 : vector<1x128xf32> to vector<10000x128xf32>
    %add3A_16 = arith.addf %dot_general3A_12, %add3A : vector<10000x128xf32>
    %reduce_sum3A = arith.constant dense<0.000000e+00> : vector<128xf32>
    %reduce_sum3A_17 = vector.multi_reduction <add>, %add3A_16, %reduce_sum3A [0] : vector<10000x128xf32> to vector<128xf32>
    %broadcast_in_dim3A = vector.shape_cast %reduce_sum3A_17 : vector<128xf32> to vector<1x128xf32>
    %div3A = arith.constant 1.000000e+04 : f32
    %div3A_18 = vector.broadcast %div3A : f32 to vector<1x128xf32>
    %div3A_19 = arith.divf %broadcast_in_dim3A, %div3A_18 : vector<1x128xf32>
    %sub3A = vector.broadcast %div3A_19 : vector<1x128xf32> to vector<10000x128xf32>
    %sub3A_20 = arith.subf %add3A_16, %sub3A : vector<10000x128xf32>
    %integer_pow3A = arith.mulf %sub3A_20, %sub3A_20 : vector<10000x128xf32>
    %reduce_sum3A_21 = arith.constant dense<0.000000e+00> : vector<128xf32>
    %reduce_sum3A_22 = vector.multi_reduction <add>, %integer_pow3A, %reduce_sum3A_21 [0] : vector<10000x128xf32> to vector<128xf32>
    %broadcast_in_dim3A_23 = vector.shape_cast %reduce_sum3A_22 : vector<128xf32> to vector<1x128xf32>
    %div3A_24 = arith.constant 1.000000e+04 : f32
    %div3A_25 = vector.broadcast %div3A_24 : f32 to vector<1x128xf32>
    %div3A_26 = arith.divf %broadcast_in_dim3A_23, %div3A_25 : vector<1x128xf32>
    %get3A_27 = arith.constant 0 : index
    %get3A_28 = arith.constant 0 : index
    %get3A_29 = vector.load %arg3[%get3A_27, %get3A_28] : memref<1x128xf32, #tpu.memory_space<vmem>>, vector<1x128xf32>
    %sub3A_30 = vector.broadcast %div3A_19 : vector<1x128xf32> to vector<10000x128xf32>
    %sub3A_31 = arith.subf %add3A_16, %sub3A_30 : vector<10000x128xf32>
    %mul3A = vector.broadcast %get3A_29 : vector<1x128xf32> to vector<10000x128xf32>
    %mul3A_32 = arith.mulf %mul3A, %sub3A_31 : vector<10000x128xf32>
    %add3A_33 = arith.constant 9.99999974E-6 : f32
    %add3A_34 = vector.broadcast %add3A_33 : f32 to vector<1x128xf32>
    %add3A_35 = arith.addf %div3A_26, %add3A_34 : vector<1x128xf32>
    %rsqrt3A = math.rsqrt %add3A_35 : vector<1x128xf32>
    %mul3A_36 = vector.broadcast %rsqrt3A : vector<1x128xf32> to vector<10000x128xf32>
    %mul3A_37 = arith.mulf %mul3A_32, %mul3A_36 : vector<10000x128xf32>
    %get3A_38 = arith.constant 0 : index
    %get3A_39 = arith.constant 0 : index
    %get3A_40 = vector.load %arg4[%get3A_38, %get3A_39] : memref<1x128xf32, #tpu.memory_space<vmem>>, vector<1x128xf32>
    %add3A_41 = vector.broadcast %get3A_40 : vector<1x128xf32> to vector<10000x128xf32>
    %add3A_42 = arith.addf %mul3A_37, %add3A_41 : vector<10000x128xf32>
    %swap3A = arith.constant 0 : index
    %swap3A_43 = arith.constant 0 : index
    %swap3A_44 = vector.load %arg5[%swap3A, %swap3A_43] : memref<10000x128xf32, #tpu.memory_space<vmem>>, vector<10000x128xf32>
    tpu.vector_store %arg5[%swap3A, %swap3A_43], %add3A_42 {strides = array<i32>} : memref<10000x128xf32, #tpu.memory_space<vmem>>, vector<10000x128xf32>,
    return
  }
}

</mosaic_0001>

<sc_bundles>
// kernel: kernel.4.cloned.1.call-start
scs
__scs_entry_jumppad:
0x0: {  	(pc) =	sbr.rel $0x88, $3  }
0x1: {  	(tag) =	ssettag $0x0;
	lr =	simm.s32 $0x1  }
0x2: {  	[smem:$0x3F9B] =	sst lr;
	_ =	strace $0xD0000000  }
0x3: {  	_ = 	snop  }
0x4: {  	_ = 	snop  }
0x5: {  	_ = 	snop  }
0x6: {  	_ = 	snop  }
0x7: {  	_ = 	snop  }
__scs_overlays_trampoline_lowered:
0x8: {  	[smem:$0x3FAA] =	sst s0  }
0x9: {  	[smem:$0x3FAB] =	sst s1  }
0xa: {  	[smem:$0x3FAC] =	sst s2  }
0xb: {  	[smem:$0x3FAD] =	sst s3  }
0xc: {  	[smem:$0x3FAE] =	sst s4  }
0xd: {  	[smem:$0x3FAF] =	sst s5  }
0xe: {  	[smem:$0x3FB0] =	sst s6  }
0xf: {  	[smem:$0x3FB1] =	sst s7  }
0x10: {  	[smem:$0x3FB2] =	sst s8  }
0x11: {  	[smem:$0x3FB3] =	sst s9;
	s0 =	simm.s32 @!p0 $0x0  }
0x12: {  	s1 =	sld [smem:$0x3F99];
	s0 =	simm.s32 @p0 $0x1  }
0x13: {  	[smem:$0x3FB4] =	sst s0;
	s0 =	simm.s32 @!p1 $0x0  }
0x14: {  	s2 =	sld [smem:$0x3F98];
	s0 =	simm.s32 @p1 $0x1  }
0x15: {  	[smem:$0x3FB5] =	sst s0;
	s0 =	simm.s32 @!p2 $0x0  }
0x16: {  	s3 =	sld [smem:$0x3FDB];
	s0 =	simm.s32 @p2 $0x1  }
0x17: {  	s4 =	simm.s32 $0x1BF5;
	[smem:$0x3FB7] =	sst s0  }
0x18: {  	s0 =	sld [smem:$0x3F9A];
	_ =	swait.ge [sflag:s4], $0x0  }
0x19: {  	s7 =	sld [smem:$0x3F9B]  }
0x1a: {  	s8 =	sadd.s32 $0xFFFFE003, lr  }
0x1b: {  	s9 =	sadd.s32 $0xFFFFFEF7, lr;
	s5 =	simm.s32 $0xFFFFFFFF;
	p2 =	slt.u32 s8, $0xFFFFF086  }
0x1c: {  	p1 =	slt.u32 s9, $0xF7A;
	s5 =	simm.s32 @!p2 $0x0  }
0x1d: {  	s5 =	simm.s32 @p1 $0x1;
	p0 =	seq.s32 s7, s2  }
0x1e: {  	s7 =	smul.u32 @!p0 $0xF7A, s2;
	p2 =	seq.s32 @!p0 s5, $0x0  }
0x1f: {  	s9 =	smul.u32 $0xF7A, s1;
	s8 =	simm.s32 @!p0 $0x1BF5;
	p2 =	por !p2, p0  }
0x20: {  	[sflag:s8] =	ssyncset.s32 @!p0 $0xFFFFF086;
	s6 =	sadd.s32 @!p0 s3, s7;
	s7 =	simm.s32 @!p0 $0x108  }
0x21: {  	s3 =	sadd.s32 s3, s9;
	s6 =	sadd.s32 @!p0 $0x88, s6;
	s7 =	simm.s32 @p2 $0x1082  }
0x22: {  	[simem:s7], [sflag:s8] =	dma.local @!p0 [hbm:s6], $0xF7A  }
0x23: {  	s9 =	sor.u32 $0xD0000000, s2;
	s6 =	simm.s32 $0x108;
	_ =	swait.ge @!p0 [sflag:s8], $0x0  }
0x24: {  	s3 =	sadd.s32 $0x88, s3;
	s6 =	simm.s32 @!p1 $0x1082;
	[sflag:s4] =	ssyncset.s32 $0xFFFFF086  }
0x25: {  	[simem:s6], [sflag:s4] =	dma.local [hbm:s3], $0xF7A  }
0x26: {  	[smem:$0x3F9B] =	sst s1;
	(tag) =	ssettag s2;
	_ =	strace s9  }
0x27: {  	s1 =	sld [smem:$0x3FAB]  }
0x28: {  	s2 =	sld [smem:$0x3FAC]  }
0x29: {  	s4 =	sld [smem:$0x3FAE]  }
0x2a: {  	p0 =	seq.s32 s5, $0x0;
	s5 =	sld [smem:$0x3FAF]  }
0x2b: {  	s6 =	sld [smem:$0x3FB0]  }
0x2c: {  	s7 =	sld [smem:$0x3FB1]  }
0x2d: {  	s3 =	simm.s32 $0x108;
	s8 =	sld [smem:$0x3FB2]  }
0x2e: {  	s3 =	simm.s32 @!p0 $0x1082;
	s9 =	sld [smem:$0x3FB3]  }
0x2f: {  	lr =	sadd.s32 s0, s3;
	s0 =	sld [smem:$0x3FAA]  }
0x30: {  	s3 =	sld [smem:$0x3FAD]  }
0x31: {  	[smem:$0x3FB6] =	sst s10  }
0x32: {  	s10 =	sld [smem:$0x3FB4];
	_ =	sdelay $0x3  }
0x33: {  	p0 =	seq.s32 s10, $0x1;
	s10 =	sld [smem:$0x3FB6];
	_ =	sdelay $0x3  }
0x34: {  	[smem:$0x3FB6] =	sst s10  }
0x35: {  	s10 =	sld [smem:$0x3FB5];
	_ =	sdelay $0x3  }
0x36: {  	p1 =	seq.s32 s10, $0x1;
	s10 =	sld [smem:$0x3FB6];
	_ =	sdelay $0x3  }
0x37: {  	[smem:$0x3FB6] =	sst s10  }
0x38: {  	s10 =	sld [smem:$0x3FB7]  }
0x39: {  	_ = 	snop;
	(pc) =	sbr.ind lr, $3  }
0x3a: {  	_ = 	snop  }
0x3b: {  	_ = 	snop  }
0x3c: {  	p2 =	seq.s32 s10, $0x1;
	s10 =	sld [smem:$0x3FB6]  }
0x3d: {  	_ =	shalt  }
0x3e: {  	_ =	shalt  }
0x3f: {  	_ =	shalt  }
0x40: {  	_ =	shalt  }
0x41: {  	_ =	shalt  }
0x42: {  	_ =	shalt  }
0x43: {  	_ =	shalt  }
0x44: {  	_ =	shalt  }
0x45: {  	_ =	shalt  }
0x46: {  	_ =	shalt  }
0x47: {  	_ =	shalt  }
0x48: {  	_ =	shalt  }
0x49: {  	_ =	shalt  }
0x4a: {  	_ =	shalt  }
0x4b: {  	_ =	shalt  }
0x4c: {  	_ =	shalt  }
0x4d: {  	_ =	shalt  }
0x4e: {  	_ =	shalt  }
0x4f: {  	_ =	shalt  }
0x50: {  	_ =	shalt  }
0x51: {  	_ =	shalt  }
0x52: {  	_ =	shalt  }
0x53: {  	_ =	shalt  }
0x54: {  	_ =	shalt  }
0x55: {  	_ =	shalt  }
0x56: {  	_ =	shalt  }
0x57: {  	_ =	shalt  }
0x58: {  	_ =	shalt  }
0x59: {  	_ =	shalt  }
0x5a: {  	_ =	shalt  }
0x5b: {  	_ =	shalt  }
0x5c: {  	_ =	shalt  }
0x5d: {  	_ =	shalt  }
0x5e: {  	_ =	shalt  }
0x5f: {  	_ =	shalt  }
0x60: {  	_ =	shalt  }
0x61: {  	_ =	shalt  }
0x62: {  	_ =	shalt  }
0x63: {  	_ =	shalt  }
0x64: {  	_ =	shalt  }
0x65: {  	_ =	shalt  }
0x66: {  	_ =	shalt  }
0x67: {  	_ =	shalt  }
0x68: {  	_ =	shalt  }
0x69: {  	_ =	shalt  }
0x6a: {  	_ =	shalt  }
0x6b: {  	_ =	shalt  }
0x6c: {  	_ =	shalt  }
0x6d: {  	_ =	shalt  }
0x6e: {  	_ =	shalt  }
0x6f: {  	_ =	shalt  }
0x70: {  	_ =	shalt  }
0x71: {  	_ =	shalt  }
0x72: {  	_ =	shalt  }
0x73: {  	_ =	shalt  }
0x74: {  	_ =	shalt  }
0x75: {  	_ =	shalt  }
0x76: {  	_ =	shalt  }
0x77: {  	_ =	shalt  }
0x78: {  	_ =	shalt  }
0x79: {  	_ =	shalt  }
0x7a: {  	_ =	shalt  }
0x7b: {  	_ =	shalt  }
0x7c: {  	_ =	shalt  }
0x7d: {  	_ =	shalt  }
0x7e: {  	_ =	shalt  }
0x7f: {  	_ =	shalt  }
0x80: {  	_ =	shalt  }
0x81: {  	_ =	shalt  }
0x82: {  	_ =	shalt  }
0x83: {  	_ =	shalt  }
0x84: {  	_ =	shalt  }
0x85: {  	_ =	shalt  }
0x86: {  	_ =	shalt  }
0x87: {  	_ =	shalt  }
.Lfunc_end0:
.L_simem_size_0:
called_computation_lowered:
.L_overlay_start_0:
0x88: {  	s2 =	sld [smem:$0x3FD9]  }
0x89: {  	s3 =	sld [smem:$0x3FFE];
	_ =	sdelay $0x1  }
0x8a: {  	s1 =	srdreg.scid  }
0x8b: {  	s0 =	sand.u32 $0x1, s1  }
0x8c: {  	s17 =	sshll.u32 s0, $0xA;
	s2 =	sadd.s32 s3, s2  }
0x8d: {  	s2 =	sadd.s32 s2, s17  }
0x8e: {  	[smem:$0x3FC2] =	sst s2  }
0x8f: {  	_ = 	snop  }
0x90: {  	s2 =	sld [smem:$0x3FD0];
	(tm) =	ssettm $0x1  }
0x91: {  	s18 =	sld [smem:$0x3FFB];
	_ =	sdelay $0x3  }
0x92: {  	_ =	strace s18  }
0x93: {  	s3 =	sld [smem:$0x3FFC];
	_ =	sdelay $0x3  }
0x94: {  	_ =	strace s3  }
0x95: {  	s3 =	sld [smem:$0x3FFD];
	_ =	sdelay $0x3  }
0x96: {  	_ =	strace s3  }
0x97: {  	_ =	strace $0x8FFFFFFF  }
0x98: {  	s19 =	sld [smem:$0x3FDB];
	_ =	sdelay $0x1  }
0x99: {  	s4 =	simm.s32 $_scs_section_size  }
0x9a: {  	s5 =	simm.s32 $_size__tile_overlayer_lowered;
	s6 =	simm.s32 $_tile_overlayer_lowered  }
0x9b: {  	s22 =	simm.s32 $0x1BFF;
	s21 =	sshll.u32 s6, $0x1;
	s3 =	sadd.s32 s4, s19  }
0x9c: {  	s7 =	simm.s32 $0x0;
	s20 =	sshll.u32 s5, $0x1;
	s5 =	sadd.s32 s21, s3  }
0x9d: {  	[timem:s7], [sflag:s22] =	dma.local [hbm:s5], s20  }
0x9e: {  	_ =	swait.ge [sflag:s22], s20  }
0x9f: {  	s4 =	ssub.s32 $0x0, s20;
	[sflag:s22] =	ssyncset.done $0x0  }
0xa0: {  	[sflag:s22] =	ssyncadd.s32 s4;
	_ =	sdelay $0x1  }
0xa1: {  	s23 =	simm.s32 $0x1B8B  }
0xa2: {  	_ =	swait.ge [sflag:s23], $0x1  }
0xa3: {  	[sflag:s23] =	ssyncset.done $0x0  }
0xa4: {  	s25 =	simm.s32 $0x1B8E;
	s24 =	sld [smem:$0x3FFE];
	[sflag:s23] =	ssyncadd.s32 $0xFFFFFFFF  }
0xa5: {  	s26 =	simm.s32 $execute0_lowered;
	[smem:$0x3FD2] =	sst s25  }
0xa6: {  	s5 =	sshll.u32 s26, $0x1;
	_ =	strace $0x80000046;
	[dreg:$0x1] =	wrdreg $0xFFFFFFFF  }
0xa7: {  	s28 =	simm.s32 $_size_execute0_lowered;
	s3 =	sadd.s32 s3, s5;
	[dreg:$0x0] =	wrdreg $0x0  }
0xa8: {  	s5 =	sshll.u32 s28, $0x1;
	[dreg:$0x2] =	wrdreg s3  }
0xa9: {  	[dreg:$0x3] =	wrdreg s5  }
0xaa: {  	[dreg:$0x4] =	wrdreg $0xC0  }
0xab: {  	_ =	task [dreg:s7], $0x5FFFF  }
0xac: {  	[dreg:$0x1] =	wrdreg $0xFFFFFFFF  }
0xad: {  	[dreg:$0x0] =	wrdreg $0x60  }
0xae: {  	[dreg:$0x2] =	wrdreg s24  }
0xaf: {  	[dreg:$0x3] =	wrdreg s2  }
0xb0: {  	[dreg:$0x4] =	wrdreg $0x11D800  }
0xb1: {  	[dreg:$0x5] =	wrdreg $0x9  }
0xb2: {  	_ =	task.clear_ibuf [dreg:s7], $0x6FFFF;
	_ =	strace $0x90000046  }
0xb3: {  	s29 =	simm.s32 $0x9;
	_ =	strace $0x80000048  }
0xb4: {  	_ =	swait.ge [sflag:s29], $0x1  }
0xb5: {  	[sflag:s29] =	ssyncadd.s32 $0xFFFFFFFF  }
0xb6: {  	_ =	strace $0x90000048  }
0xb7: {  	_ =	sfence  }
0xb8: {  	s30 =	sld [smem:$0x0];
	_ =	sdelay $0x2  }
0xb9: {  	s31 =	sshll.u32 s1, $0xD;
	s1 =	sshrl.u32 s1, $0x2  }
0xba: {  	s3 =	sand.u32 $0x4000, s31;
	s1 =	sadd.s32 s1, s30  }
0xbb: {  	s0 =	sor.u32 s3, s0;
	s1 =	sshll.u32 s1, $0x11  }
0xbc: {  	s0 =	sor.u32 s1, s0  }
0xbd: {  	s0 =	sadd.s32 $0x8F2B, s0  }
0xbe: {  	[sflag:s0] =	ssyncadd.remote.s32 $0x1  }
0xbf: {  	_ =	sfence.sel $0xFFFF  }
0xc0: {  	[dreg:$0x0] =	wrdreg $0xFFFFFFFF;
	(pc) =	sbr.abs _section_cstart, $3  }
0xc1: {  	[dreg:$0x1] =	wrdreg $0xFFFFFFFF  }
0xc2: {  	_ =	task.clear_ibuf [dreg:s7], $0x2FFFF;
	_ =	strace $0x9FFFFFFF  }
0xc3: {  	(tm) =	ssettm $0x7FFFFFFF  }
tec
execute0_lowered:
.L_overlay_start_1:
0x0: {  	(tag) =	ssettag $0x1  }
0x1: {  	s0 =	rddreg [dreg:$0x0]  }
0x2: {  	s1 =	rddreg [dreg:$0x1]  }
0x3: {  	s2 =	rddreg [dreg:$0x2]  }
0x4: {  	s14 =	stileid.u32;
	s4 =	srdreg.scid;
	s3 =	simm.s32 $0x0  }
0x5: {  	s15 =	simm.s32 $0xA080;
	s17 =	simm.s32 $0xBFC0;
	s18 =	simm.s32 $0x100  }
0x6: {  	s19 =	simm.s32 $0xDF00;
	s28 =	simm.s32 $0x9E80;
	s5 =	smul.u32 $0xA10, s14  }
0x7: {  	s29 =	simm.s32 $0x9F00;
	s30 =	simm.s32 $0x9F80;
	s7 =	smul.u32 $0xA000, s14  }
0x8: {  	s31 =	simm.s32 $0xA000;
	s6 =	sand.u32 $0x1, s4;
	s21 =	smul.u32 $0x5000, s14  }
0x9: {  	[smem:$0x7FF] =	sst s3;
	s4 =	sadd.s32 $0x200, s0;
	s23 =	smul.u32 $0x1400, s14  }
0xa: {  	s26 =	sshll.u32 s14, $0x6;
	s14 =	simm.s32 $0x7D;
	s8 =	smul.u32 $0xA0000, s6  }
0xb: {  	_ =	strace $0x80000047;
	s9 =	smul.u32 $0x50000, s6;
	s11 =	ssub.s32 $0x2, s6  }
0xc: {  	s12 =	smul.u32 $0x14000, s6;
	s10 =	sadd.s32 s5, s0;
	s22 =	sshrl.u32 s11, $0x1  }
0xd: {  	s13 =	sadd.s32 s7, s2;
	s20 =	sadd.s32 s7, s8;
	s8 =	sadd.s32 s21, s9  }
0xe: {  	s11 =	ssub.s32 s11, s22;
	s6 =	sadd.s32 $0x28200, s10;
	s25 =	sadd.s32 s23, s12  }
0xf: {  	s10 =	simm.s32 $0x5;
	s12 =	sor.u32 $0x1C05, s26;
	s13 =	sshrl.u32 s13, $0x3  }
0x10: {  	s21 =	simm.s32 $0xFE40;
	s22 =	simm.s32 $0x1;
	s23 =	simm.s32 $0x2  }
0x11: {  	s26 =	simm.s32 $0x9E00;
	s5 =	sshrl.u32 s20, $0x3;
	s24 =	sshrl.u32 s8, $0x3  }
0x12: {  	s7 =	sadd.s32 s4, s25;
	s9 =	smax.u32 s11, $0x1;
	s20 =	simm.s32 $0x180  }
0x13: {  	s25 =	simm.s32 $0x4;
	s0 =	sadd.s32 s5, s0;
	s5 =	sadd.s32 s1, s24  }
0x14: {  	s24 =	simm.s32 $0x3;
	s8 =	sadd.s32 $0x32400, s0;
	s0 =	simm.s32 $0x0  }
.LBB2_1:
0x15: {  	[tilespmem:s3], [sflag:$0x5] =	stream.linear.gather [hbm4b:s5+s3], $0x5000, $0x38;
	[tilespmem:$0x1BD80] =	vst v63  }
0x16: {  	_ =	swait.ge [sflag:s10], $0x5000  }
0x17: {  	[sflag:s10] =	ssyncset.done $0x0  }
0x18: {  	s1 =	simm.s32 $0x5000;
	[sflag:s10] =	ssyncadd.s32 $0xFFFFB000  }
0x19: {  	[tilespmem:s1], [sflag:$0x5] =	stream.linear.gather [hbm4b:s6+s3], $0x5080, $0x38;
	[tilespmem:$0x1BD80] =	vst v63  }
0x1a: {  	_ =	swait.ge [sflag:s10], $0x5080  }
0x1b: {  	[sflag:s10] =	ssyncset.done $0x0  }
0x1c: {  	[sflag:s10] =	ssyncadd.s32 $0xFFFFAF80  }
0x1d: {  	[spmem:s13], [sflag:s12] =	dma.local [hbm:s7], $0x1400  }
0x1e: {  	_ =	swait.ge [sflag:s10], $0x1400  }
0x1f: {  	[sflag:s10] =	ssyncset.done $0x0  }
0x20: {  	[sflag:s10] =	ssyncadd.s32 $0xFFFFEC00  }
0x21: {  	[bflag:$0x0] =	sbarrier.arrive $0xFFFF  }
0x22: {  	[tilespmem:s15], [sflag:$0x1] =	stream.indirect.gather [hbm4b:s4+s14], $0x40, s3, s14, $0xb8;
	[tilespmem:$0x1BD80] =	vst v63  }
0x23: {  	s11 =	simm.s32 $0x80  }
0x24: {  	[tilespmem:s17], [sflag:$0x2] =	stream.indirect.gather [hbm4b:s4+s14], $0x40, s11, s14, $0xb8;
	[tilespmem:$0x1BD80] =	vst v63  }
0x25: {  	_ = 	snop  }
0x26: {  	[tilespmem:s19], [sflag:$0x3] =	stream.indirect.gather [hbm4b:s4+s14], $0x40, s18, s14, $0xb8;
	[tilespmem:$0x1BD80] =	vst v63  }
0x27: {  	_ = 	snop  }
0x28: {  	[tilespmem:s21], [sflag:$0x4] =	stream.indirect.gather [hbm4b:s4+s14], $0x40, s20, s14, $0xb8;
	[tilespmem:$0x1BD80] =	vst v63  }
0x29: {  	_ =	swait.ge [sflag:s22], $0x1F40  }
0x2a: {  	[sflag:s22] =	ssyncset.done $0x0  }
0x2b: {  	s16 =	simm.s32 $0x5000;
	[sflag:s22] =	ssyncadd.s32 $0xFFFFE0C0  }
0x2c: {  	[spmem:s2] =	stream.indirect.scatter.add.f32 [tilespmem:s15], [sflag:$0x5], $0x40, s16, s14, $0xb8;
	[tilespmem:$0x1BD80] =	vst v63  }
0x2d: {  	_ =	swait.ge [sflag:s10], $0x1F40  }
0x2e: {  	[sflag:s10] =	ssyncset.done $0x0  }
0x2f: {  	s11 =	simm.s32 $0x200;
	[sflag:s10] =	ssyncadd.s32 $0xFFFFE0C0  }
0x30: {  	[tilespmem:s15], [sflag:$0x1] =	stream.indirect.gather [hbm4b:s4+s14], $0x40, s11, s14, $0xb8;
	[tilespmem:$0x1BD80] =	vst v63  }
0x31: {  	_ =	swait.ge [sflag:s23], $0x1F40  }
0x32: {  	[sflag:s23] =	ssyncset.done $0x0  }
0x33: {  	s16 =	simm.s32 $0x5080;
	[sflag:s23] =	ssyncadd.s32 $0xFFFFE0C0  }
0x34: {  	[spmem:s2] =	stream.indirect.scatter.add.f32 [tilespmem:s17], [sflag:$0x5], $0x40, s16, s14, $0xb8;
	[tilespmem:$0x1BD80] =	vst v63  }
0x35: {  	_ =	swait.ge [sflag:s10], $0x1F40  }
0x36: {  	[sflag:s10] =	ssyncset.done $0x0  }
0x37: {  	s11 =	simm.s32 $0x280;
	[sflag:s10] =	ssyncadd.s32 $0xFFFFE0C0  }
0x38: {  	[tilespmem:s17], [sflag:$0x2] =	stream.indirect.gather [hbm4b:s4+s14], $0x40, s11, s14, $0xb8;
	[tilespmem:$0x1BD80] =	vst v63  }
0x39: {  	_ =	swait.ge [sflag:s24], $0x1F40  }
0x3a: {  	[sflag:s24] =	ssyncset.done $0x0  }
0x3b: {  	s16 =	simm.s32 $0x5100;
	[sflag:s24] =	ssyncadd.s32 $0xFFFFE0C0  }
0x3c: {  	[spmem:s2] =	stream.indirect.scatter.add.f32 [tilespmem:s19], [sflag:$0x5], $0x40, s16, s14, $0xb8;
	[tilespmem:$0x1BD80] =	vst v63  }
0x3d: {  	_ =	swait.ge [sflag:s10], $0x1F40  }
0x3e: {  	[sflag:s10] =	ssyncset.done $0x0  }
0x3f: {  	s11 =	simm.s32 $0x300;
	[sflag:s10] =	ssyncadd.s32 $0xFFFFE0C0  }
0x40: {  	[tilespmem:s19], [sflag:$0x3] =	stream.indirect.gather [hbm4b:s4+s14], $0x40, s11, s14, $0xb8;
	[tilespmem:$0x1BD80] =	vst v63  }
0x41: {  	_ =	swait.ge [sflag:s25], $0x1F40  }
0x42: {  	[sflag:s25] =	ssyncset.done $0x0  }
0x43: {  	s16 =	simm.s32 $0x5180;
	[sflag:s25] =	ssyncadd.s32 $0xFFFFE0C0  }
0x44: {  	[spmem:s2] =	stream.indirect.scatter.add.f32 [tilespmem:s21], [sflag:$0x5], $0x40, s16, s14, $0xb8;
	[tilespmem:$0x1BD80] =	vst v63  }
0x45: {  	_ =	swait.ge [sflag:s10], $0x1F40  }
0x46: {  	[sflag:s10] =	ssyncset.done $0x0  }
0x47: {  	s1 =	simm.s32 $0x800;
	s11 =	simm.s32 $0x380;
	[sflag:s10] =	ssyncadd.s32 $0xFFFFE0C0  }
.LBB2_2:
0x48: {  	[tilespmem:s21], [sflag:$0x4] =	stream.indirect.gather [hbm4b:s4+s14], $0x40, s11, s14, $0xb8;
	[tilespmem:$0x1BD80] =	vst v63  }
0x49: {  	s11 =	smov.u32 s1  }
0x4a: {  	p0 =	sne.s32 s1, $0x13000;
	s1 =	sadd.s32 $0x800, s1;
	_ =	swait.ge [sflag:s22], $0x1F40  }
0x4b: {  	s11 =	sshra.s32 s11, $0x2;
	[sflag:s22] =	ssyncset.done $0x0  }
0x4c: {  	s16 =	sadd.s32 $0x5000, s11;
	[sflag:s22] =	ssyncadd.s32 $0xFFFFE0C0  }
0x4d: {  	[spmem:s2] =	stream.indirect.scatter.add.f32 [tilespmem:s15], [sflag:$0x5], $0x40, s16, s14, $0xb8;
	[tilespmem:$0x1BD80] =	vst v63  }
0x4e: {  	_ =	swait.ge [sflag:s10], $0x1F40  }
0x4f: {  	[sflag:s10] =	ssyncset.done $0x0  }
0x50: {  	s16 =	sadd.s32 $0x200, s11;
	[sflag:s10] =	ssyncadd.s32 $0xFFFFE0C0  }
0x51: {  	[tilespmem:s15], [sflag:$0x1] =	stream.indirect.gather [hbm4b:s4+s14], $0x40, s16, s14, $0xb8;
	[tilespmem:$0x1BD80] =	vst v63  }
0x52: {  	_ =	swait.ge [sflag:s23], $0x1F40  }
0x53: {  	[sflag:s23] =	ssyncset.done $0x0  }
0x54: {  	s16 =	sadd.s32 $0x5080, s11;
	[sflag:s23] =	ssyncadd.s32 $0xFFFFE0C0  }
0x55: {  	[spmem:s2] =	stream.indirect.scatter.add.f32 [tilespmem:s17], [sflag:$0x5], $0x40, s16, s14, $0xb8;
	[tilespmem:$0x1BD80] =	vst v63  }
0x56: {  	_ =	swait.ge [sflag:s10], $0x1F40  }
0x57: {  	[sflag:s10] =	ssyncset.done $0x0  }
0x58: {  	s16 =	sadd.s32 $0x280, s11;
	[sflag:s10] =	ssyncadd.s32 $0xFFFFE0C0  }
0x59: {  	[tilespmem:s17], [sflag:$0x2] =	stream.indirect.gather [hbm4b:s4+s14], $0x40, s16, s14, $0xb8;
	[tilespmem:$0x1BD80] =	vst v63  }
0x5a: {  	_ =	swait.ge [sflag:s24], $0x1F40  }
0x5b: {  	[sflag:s24] =	ssyncset.done $0x0  }
0x5c: {  	s16 =	sadd.s32 $0x5100, s11;
	[sflag:s24] =	ssyncadd.s32 $0xFFFFE0C0  }
0x5d: {  	[spmem:s2] =	stream.indirect.scatter.add.f32 [tilespmem:s19], [sflag:$0x5], $0x40, s16, s14, $0xb8;
	[tilespmem:$0x1BD80] =	vst v63  }
0x5e: {  	_ =	swait.ge [sflag:s10], $0x1F40  }
0x5f: {  	[sflag:s10] =	ssyncset.done $0x0  }
0x60: {  	s16 =	sadd.s32 $0x300, s11;
	[sflag:s10] =	ssyncadd.s32 $0xFFFFE0C0  }
0x61: {  	[tilespmem:s19], [sflag:$0x3] =	stream.indirect.gather [hbm4b:s4+s14], $0x40, s16, s14, $0xb8;
	[tilespmem:$0x1BD80] =	vst v63  }
0x62: {  	_ =	swait.ge [sflag:s25], $0x1F40  }
0x63: {  	[sflag:s25] =	ssyncset.done $0x0  }
.Ltmp0:
0x64: {  	s16 =	sadd.s32 $0x5180, s11;
	[sflag:s25] =	ssyncadd.s32 $0xFFFFE0C0;
	(pc) =	sbr.rel @p0 .LBB2_2-.Ltmp0, $4  }
0x65: {  	[spmem:s2] =	stream.indirect.scatter.add.f32 [tilespmem:s21], [sflag:$0x5], $0x40, s16, s14, $0xb8;
	[tilespmem:$0x1BD80] =	vst v63  }
0x66: {  	_ =	swait.ge [sflag:s10], $0x1F40  }
0x67: {  	[sflag:s10] =	ssyncset.done $0x0  }
0x68: {  	s11 =	sadd.s32 $0x380, s11;
	[sflag:s10] =	ssyncadd.s32 $0xFFFFE0C0  }
0x69: {  	[tilespmem:s21], [sflag:$0x4] =	stream.indirect.gather [hbm4b:s4+s14], $0x40, s11, s14, $0xb8;
	[tilespmem:$0x1BD80] =	vst v63  }
0x6a: {  	_ =	swait.ge [sflag:s22], $0x1F40  }
0x6b: {  	[sflag:s22] =	ssyncset.done $0x0  }
0x6c: {  	[sflag:s22] =	ssyncadd.s32 $0xFFFFE0C0  }
0x6d: {  	[spmem:s2] =	stream.indirect.scatter.add.f32 [tilespmem:s15], [sflag:$0x5], $0x40, s26, s14, $0xb8;
	[tilespmem:$0x1BD80] =	vst v63  }
0x6e: {  	_ =	swait.ge [sflag:s10], $0x1F40  }
0x6f: {  	[sflag:s10] =	ssyncset.done $0x0  }
0x70: {  	[sflag:s10] =	ssyncadd.s32 $0xFFFFE0C0  }
0x71: {  	_ =	swait.ge [sflag:s23], $0x1F40  }
0x72: {  	[sflag:s23] =	ssyncset.done $0x0  }
0x73: {  	[sflag:s23] =	ssyncadd.s32 $0xFFFFE0C0  }
0x74: {  	[spmem:s2] =	stream.indirect.scatter.add.f32 [tilespmem:s17], [sflag:$0x5], $0x40, s28, s14, $0xb8;
	[tilespmem:$0x1BD80] =	vst v63  }
0x75: {  	_ =	swait.ge [sflag:s10], $0x1F40  }
0x76: {  	[sflag:s10] =	ssyncset.done $0x0  }
0x77: {  	[sflag:s10] =	ssyncadd.s32 $0xFFFFE0C0  }
0x78: {  	_ =	swait.ge [sflag:s24], $0x1F40  }
0x79: {  	[sflag:s24] =	ssyncset.done $0x0  }
0x7a: {  	[sflag:s24] =	ssyncadd.s32 $0xFFFFE0C0  }
0x7b: {  	[spmem:s2] =	stream.indirect.scatter.add.f32 [tilespmem:s19], [sflag:$0x5], $0x40, s29, s14, $0xb8;
	[tilespmem:$0x1BD80] =	vst v63  }
0x7c: {  	_ =	swait.ge [sflag:s10], $0x1F40  }
0x7d: {  	[sflag:s10] =	ssyncset.done $0x0  }
0x7e: {  	[sflag:s10] =	ssyncadd.s32 $0xFFFFE0C0  }
0x7f: {  	_ =	swait.ge [sflag:s25], $0x1F40  }
0x80: {  	[sflag:s25] =	ssyncset.done $0x0  }
0x81: {  	[sflag:s25] =	ssyncadd.s32 $0xFFFFE0C0  }
0x82: {  	[spmem:s2] =	stream.indirect.scatter.add.f32 [tilespmem:s21], [sflag:$0x5], $0x40, s30, s14, $0xb8;
	[tilespmem:$0x1BD80] =	vst v63  }
0x83: {  	_ =	swait.ge [sflag:s10], $0x1F40  }
0x84: {  	[sflag:s10] =	ssyncset.done $0x0  }
0x85: {  	[sflag:s10] =	ssyncadd.s32 $0xFFFFE0C0  }
0x86: {  	[spmem:s2] =	stream.indirect.scatter.add.f32 [tilespmem:s15], [sflag:$0x5], $0x40, s31, s14, $0xb8;
	[tilespmem:$0x1BD80] =	vst v63  }
0x87: {  	_ =	swait.ge [sflag:s10], $0x1F40  }
0x88: {  	[sflag:s10] =	ssyncset.done $0x0  }
0x89: {  	s0 =	sadd.s32 $0x1, s0;
	[sflag:s10] =	ssyncadd.s32 $0xFFFFE0C0  }
0x8a: {  	p0 =	sne.s32 s0, s9;
	[bflag:$0x0] =	sbarrier.arrive $0xFFFF  }
.Ltmp1:
0x8b: {  	[bflag:$0x0] =	sbarrier.arrive $0xFFFF;
	(pc) =	sbr.rel @p0 .LBB2_1-.Ltmp1, $4  }
0x8c: {  	[hbm:s8], [sflag:s12] =	dma.local [spmem:s13], $0x1400  }
0x8d: {  	_ =	swait.ge [sflag:s10], $0x1400  }
0x8e: {  	[sflag:s10] =	ssyncset.done $0x0  }
0x8f: {  	[sflag:s10] =	ssyncadd.s32 $0xFFFFEC00  }
0x90: {  	_ =	sfence.sel $0x180000  }
0x91: {  	[bflag:$0x0] =	sbarrier.arrive $0xFFFF  }
0x92: {  	_ =	strace $0x90000047  }
0x93: {  	s0 =	stileid.u32;
	[bflag:$0x2] =	sbarrier.arrive $0xFFFF  }
0x94: {  	p0 =	sne.s32 s0, $0x0;
	s0 =	rddreg [dreg:$0x3]  }
0x95: {  	s0 =	sadd.s32 @!p0 $0x100000, s0  }
0x96: {  	[sflag:s0] =	ssyncadd.tile.s32 @!p0 $0x1;
	_ =	shalt  }
.Lfunc_end2:
_tile_overlayer_lowered:
.L_overlay_start_2:
0x97: {  	(tag) =	ssettag $0x2  }
0x98: {  	s0 =	rddreg [dreg:$0x0];
	s2 =	stileid.u32  }
0x99: {  	s1 =	rddreg [dreg:$0x1];
	p0 =	sne.s32 s2, $0x0  }
0x9a: {  	s3 =	rddreg [dreg:$0x2];
	[bflag:$0x3] =	sbarrier.arrive $0xFFFF;
	s2 =	simm.s32 @!p0 $0x1C05  }
0x9b: {  	[timem:s3], [sflag:s2] =	dma.local @!p0 [hbm:s0], s1  }
0x9c: {  	s0 =	simm.s32 @!p0 $0x5  }
0x9d: {  	_ =	swait.ge @!p0 [sflag:s0], s1  }
0x9e: {  	s1 =	ssub.s32 @!p0 $0x0, s1;
	[sflag:s0] =	ssyncset.done @!p0 $0x0  }
0x9f: {  	[sflag:s0] =	ssyncadd.s32 @!p0 s1  }
0xa0: {  	[bflag:$0x3] =	sbarrier.arrive $0xFFFF  }
0xa1: {  	_ =	shalt  }

</sc_bundles>
